<compile_context>
chip_gen: v7x
topology: tpu7x:2x2x1
jax: 0.10.2.dev20260603
libtpu: 0.0.44.dev20260713+nightly
codegen_flags: <defaults>
</compile_context>

<pallas_src>
import functools

import jax
import jax.numpy as jnp
from jax import lax
from jax.experimental import pallas as pl
from jax.experimental.pallas import tpu as pltpu
from jax.experimental.pallas import tpu_sc as plsc


def _edge_kernel(u_ref, w_ref, b_ref, s_ref, y_ref, *, blk_e):
    i = pl.program_id(0)
    u = u_ref[...]
    w = w_ref[...]
    z = jax.lax.dot_general(
        u.astype(jnp.bfloat16), w.astype(jnp.bfloat16),
        (((1,), (1,)), ((), ())),
        preferred_element_type=jnp.float32,
    )
    s = s_ref[0, 0]
    dyn = jax.nn.sigmoid(z + b_ref[0, :][None, :])
    u_blk = u_ref[:, pl.ds(i * blk_e, blk_e)]
    y_ref[...] = s * u_blk + (1.0 - s) * dyn


def _make_sc_broadcast(n_idx, seq_len):
    info = plsc.get_sparse_core_info()
    nc, ns, lanes = info.num_cores, info.num_subcores, info.num_lanes
    nw = nc * ns
    chunk = n_idx // nw
    n_grp = chunk // lanes
    n_rep = seq_len // lanes
    mesh = plsc.VectorSubcoreMesh(core_axis_name="c", subcore_axis_name="s")

    @functools.partial(
        pl.kernel,
        out_type=jax.ShapeDtypeStruct((n_idx * seq_len,), jnp.int32),
        mesh=mesh,
        scratch_types=[
            pltpu.VMEM((chunk,), jnp.int32),
            pltpu.VMEM((chunk * seq_len,), jnp.int32),
        ],
    )
    def sc_broadcast(idx_hbm, out_hbm, in_v, out_v):
        wid = lax.axis_index("s") * nc + lax.axis_index("c")
        base = wid * chunk
        pltpu.sync_copy(idx_hbm.at[pl.ds(base, chunk)], in_v)

        def body(g, carry):
            vals = in_v[pl.ds(g * lanes, lanes)]
            dnums = lax.GatherDimensionNumbers(
                offset_dims=(), collapsed_slice_dims=(0,), start_index_map=(0,))
            for i in range(lanes):
                sp = lax.gather(vals, jnp.full((lanes, 1), i, jnp.int32),
                                dnums, (1,),
                                mode=lax.GatherScatterMode.PROMISE_IN_BOUNDS)
                row = g * lanes + i
                for k in range(n_rep):
                    out_v[pl.ds(row * seq_len + k * lanes, lanes)] = sp
            return carry

        lax.fori_loop(0, n_grp, body, 0)
        pltpu.sync_copy(out_v, out_hbm.at[pl.ds(base * seq_len, chunk * seq_len)])

    return sc_broadcast


def kernel(hidden_states, edge_index, edge_weight, W, b, skip_param):
    seq_len = hidden_states.shape[1]
    E = W.shape[0]
    BE = edge_weight.shape[0]
    batch = BE // E

    u = edge_weight.reshape(batch, E)
    b2 = b.reshape(1, E)
    s2 = skip_param.reshape(1, 1)

    blk_e = 512
    n_blk = E // blk_e

    body = functools.partial(_edge_kernel, blk_e=blk_e)

    y2 = pl.pallas_call(
        body,
        grid=(n_blk,),
        in_specs=[
            pl.BlockSpec((batch, E), lambda i: (0, 0)),
            pl.BlockSpec((blk_e, E), lambda i: (i, 0)),
            pl.BlockSpec((1, blk_e), lambda i: (0, i)),
            pl.BlockSpec((1, 1), lambda i: (0, 0)),
        ],
        out_specs=pl.BlockSpec((batch, blk_e), lambda i: (0, i)),
        out_shape=jax.ShapeDtypeStruct((batch, E), jnp.float32),
    )(u, W, b2, s2)

    sc_broadcast = _make_sc_broadcast(2 * BE, seq_len)
    ei3 = sc_broadcast(edge_index.reshape(2 * BE)).reshape(2, BE, seq_len)


    out = jnp.broadcast_to(y2.reshape(BE, 1), (BE, seq_len))
    return ei3, out

# --- scband reference (transcript-rebuilt; emitter-appended) ---
"""Pipeline reference for scband-edge-learner-32925219291944 (READ-ONLY COPY).

The authoritative reference and input builder live on the scoring server;
editing this copy changes nothing except your own understanding.
"""

import jax, jax.numpy as jnp
import numpy as np

NUM_VERTICES = 512
NUM_EDGES = 4096
BATCH = 2
SEQ_LEN = 64
D_MODEL = 128


def setup_inputs(seed: int = 0) -> dict:
    key = jax.random.key(seed)
    k1, k2, k3, k4, k5 = jax.random.split(key, 5)
    hidden_states = jax.random.normal(k1, (BATCH * NUM_VERTICES, SEQ_LEN, D_MODEL), dtype=jnp.float32)
    edge_index = jax.random.randint(k2, (2, BATCH * NUM_EDGES), 0, NUM_VERTICES, dtype=jnp.int32)
    edge_weight = jax.random.uniform(k3, (BATCH * NUM_EDGES,), dtype=jnp.float32)
    bound = 1.0 / np.sqrt(NUM_EDGES)
    W = jax.random.uniform(k4, (NUM_EDGES, NUM_EDGES), minval=-bound, maxval=bound, dtype=jnp.float32)
    b = jax.random.uniform(k5, (NUM_EDGES,), minval=-bound, maxval=bound, dtype=jnp.float32)
    skip_param = jnp.float32(0.5)
    return {
        'hidden_states': hidden_states,
        'edge_index': edge_index,
        'edge_weight': edge_weight,
        'W': W,
        'b': b,
        'skip_param': skip_param,
    }


def reference(hidden_states, edge_index, edge_weight, W, b, skip_param):
    batch_size = hidden_states.shape[0] // NUM_VERTICES
    seq_len = hidden_states.shape[1]
    BE = edge_weight.shape[0]
    # repeat 'c b -> c b l' and 'b -> b l' (edge_weight.dim() < 2 branch)
    edge_index3 = jnp.broadcast_to(edge_index[:, :, None], (2, BE, seq_len))
    ew = jnp.broadcast_to(edge_weight[:, None], (BE, seq_len))
    # rearrange '(b e) l -> (b l) e'
    ew2 = ew.reshape(batch_size, NUM_EDGES, seq_len).transpose(0, 2, 1).reshape(batch_size * seq_len, NUM_EDGES)
    # edge_transform = Linear(num_edges, num_edges); dynamic = sigmoid(Linear(ew2))
    dyn = jax.nn.sigmoid(ew2 @ W.T + b)
    out = skip_param * ew2 + (1.0 - skip_param) * dyn
    # rearrange '(b l) e -> (b e) l'
    out = out.reshape(batch_size, seq_len, NUM_EDGES).transpose(0, 2, 1).reshape(batch_size * NUM_EDGES, seq_len)
    return edge_index3, out

if __name__ == "__main__":
    import jax
    _d = setup_inputs()
    print(jax.jit(kernel)(*tuple(_d.values())))

</pallas_src>

<mosaic_0001>
#map = affine_map<(d0, d1) -> (0)>
module attributes {stable_mosaic.version = 14 : i64} {
  func.func @sc_broadcast(%arg0: i32, %arg1: i32, %arg2: memref<16384xi32, #tpu.memory_space<hbm>>, %arg3: memref<1048576xi32, #tpu.memory_space<hbm>>, %arg4: memref<512xi32, #tpu.memory_space<vmem>>, %arg5: memref<32768xi32, #tpu.memory_space<vmem>>) attributes {dimension_semantics = [#tpu.dimension_semantics<core_parallel>, #tpu.dimension_semantics<subcore_parallel>], iteration_bounds = array<i64: 2, 16>, scalar_prefetch = 0 : i64, scratch_operands = 2 : i64, tpu.core_type = #tpu.core_type<sc_vector_subcore>, window_params = [{transform_indices = #map}, {transform_indices = #map}]} {
    %mul3A = arith.constant 2 : i32
    %mul3A_0 = arith.muli %arg1, %mul3A : i32
    %add3A = arith.addi %mul3A_0, %arg0 : i32
    %mul3A_1 = arith.constant 512 : i32
    %mul3A_2 = arith.muli %add3A, %mul3A_1 : i32
    "tpu.region"() ({
      %run_scoped3A = tpu.sem_alloc : memref<!tpu.dma_semaphore, #tpu.memory_space<semaphore_mem>>
      %dma_start3A = tpu.memref_slice %arg2[%mul3A_2] : memref<16384xi32, #tpu.memory_space<hbm>> -> memref<512xi32, #tpu.memory_space<hbm>>
      %dma_start3A_10 = tpu.memref_slice %arg2[%mul3A_2] : memref<16384xi32, #tpu.memory_space<hbm>> -> memref<512xi32, #tpu.memory_space<hbm>>
      tpu.enqueue_dma source(%dma_start3A_10 : memref<512xi32, #tpu.memory_space<hbm>>) target(%arg4 : memref<512xi32, #tpu.memory_space<vmem>>) target_semaphore(%run_scoped3A : memref<!tpu.dma_semaphore, #tpu.memory_space<semaphore_mem>>)
      %dma_wait3A = tpu.memref_slice %arg2[%mul3A_2] : memref<16384xi32, #tpu.memory_space<hbm>> -> memref<512xi32, #tpu.memory_space<hbm>>
      %dma_wait3A_11 = tpu.memref_slice %arg2[%mul3A_2] : memref<16384xi32, #tpu.memory_space<hbm>> -> memref<512xi32, #tpu.memory_space<hbm>>
      tpu.wait_dma2 semaphore(%run_scoped3A : memref<!tpu.dma_semaphore, #tpu.memory_space<semaphore_mem>>) src(%dma_wait3A_11 : memref<512xi32, #tpu.memory_space<hbm>>) dst(%arg4 : memref<512xi32, #tpu.memory_space<vmem>>)
      tpu.yield
    }) : () -> ()
    %scan3A = arith.constant 0 : i32
    %scan3A_3 = arith.constant 0 : i32
    %scan3A_4 = arith.constant 32 : i32
    %scan3A_5 = arith.addi %scan3A_3, %scan3A_4 : i32
    %scan3A_6 = arith.constant 1 : i32
    scf.for %scan3A_10 = %scan3A_3 to %scan3A_5 step %scan3A_6  : i32 {
      %mul3A_11 = arith.constant 16 : i32
      %mul3A_12 = arith.muli %scan3A_10, %mul3A_11 : i32
      %get3A = arith.index_cast %mul3A_12 : i32 to index
      %get3A_13 = tpu.vector_load %arg4[%get3A] {strides = array<i32>} : memref<512xi32, #tpu.memory_space<vmem>>, vector<16xi32>,
      %get3A_14 = vector.shape_cast %get3A_13 : vector<16xi32> to vector<16xi32>
      %broadcast_in_dim3A = arith.constant 0 : i32
      %broadcast_in_dim3A_15 = vector.broadcast %broadcast_in_dim3A : i32 to vector<16x1xi32>
      %gather3A = vector.shape_cast %broadcast_in_dim3A_15 : vector<16x1xi32> to vector<16xi32>
      %gather3A_16 = tpu.dynamic_gather %get3A_14[%gather3A] in [0] : vector<16xi32>, vector<16xi32> -> vector<16xi32>
      %mul3A_17 = arith.constant 16 : i32
      %mul3A_18 = arith.muli %scan3A_10, %mul3A_17 : i32
      %add3A_19 = arith.constant 0 : i32
      %add3A_20 = arith.addi %mul3A_18, %add3A_19 : i32
      %mul3A_21 = arith.constant 64 : i32
      %mul3A_22 = arith.muli %add3A_20, %mul3A_21 : i32
      %add3A_23 = arith.constant 0 : i32
      %add3A_24 = arith.addi %mul3A_22, %add3A_23 : i32
      %swap3A = arith.index_cast %add3A_24 : i32 to index
      %swap3A_25 = tpu.vector_load %arg5[%swap3A] {strides = array<i32>} : memref<32768xi32, #tpu.memory_space<vmem>>, vector<16xi32>,
      %swap3A_26 = vector.shape_cast %swap3A_25 : vector<16xi32> to vector<16xi32>
      %swap3A_27 = vector.shape_cast %gather3A_16 : vector<16xi32> to vector<16xi32>
      tpu.vector_store %arg5[%swap3A], %swap3A_27 {strides = array<i32>} : memref<32768xi32, #tpu.memory_space<vmem>>, vector<16xi32>,
      %mul3A_28 = arith.constant 64 : i32
      %mul3A_29 = arith.muli %add3A_20, %mul3A_28 : i32
      %add3A_30 = arith.constant 16 : i32
      %add3A_31 = arith.addi %mul3A_29, %add3A_30 : i32
      %swap3A_32 = arith.index_cast %add3A_31 : i32 to index
      %swap3A_33 = tpu.vector_load %arg5[%swap3A_32] {strides = array<i32>} : memref<32768xi32, #tpu.memory_space<vmem>>, vector<16xi32>,
      %swap3A_34 = vector.shape_cast %swap3A_33 : vector<16xi32> to vector<16xi32>
      %swap3A_35 = vector.shape_cast %gather3A_16 : vector<16xi32> to vector<16xi32>
      tpu.vector_store %arg5[%swap3A_32], %swap3A_35 {strides = array<i32>} : memref<32768xi32, #tpu.memory_space<vmem>>, vector<16xi32>,
      %mul3A_36 = arith.constant 64 : i32
      %mul3A_37 = arith.muli %add3A_20, %mul3A_36 : i32
      %add3A_38 = arith.constant 32 : i32
      %add3A_39 = arith.addi %mul3A_37, %add3A_38 : i32
      %swap3A_40 = arith.index_cast %add3A_39 : i32 to index
      %swap3A_41 = tpu.vector_load %arg5[%swap3A_40] {strides = array<i32>} : memref<32768xi32, #tpu.memory_space<vmem>>, vector<16xi32>,
      %swap3A_42 = vector.shape_cast %swap3A_41 : vector<16xi32> to vector<16xi32>
      %swap3A_43 = vector.shape_cast %gather3A_16 : vector<16xi32> to vector<16xi32>
      tpu.vector_store %arg5[%swap3A_40], %swap3A_43 {strides = array<i32>} : memref<32768xi32, #tpu.memory_space<vmem>>, vector<16xi32>,
      %mul3A_44 = arith.constant 64 : i32
      %mul3A_45 = arith.muli %add3A_20, %mul3A_44 : i32
      %add3A_46 = arith.constant 48 : i32
      %add3A_47 = arith.addi %mul3A_45, %add3A_46 : i32
      %swap3A_48 = arith.index_cast %add3A_47 : i32 to index
      %swap3A_49 = tpu.vector_load %arg5[%swap3A_48] {strides = array<i32>} : memref<32768xi32, #tpu.memory_space<vmem>>, vector<16xi32>,
      %swap3A_50 = vector.shape_cast %swap3A_49 : vector<16xi32> to vector<16xi32>
      %swap3A_51 = vector.shape_cast %gather3A_16 : vector<16xi32> to vector<16xi32>
      tpu.vector_store %arg5[%swap3A_48], %swap3A_51 {strides = array<i32>} : memref<32768xi32, #tpu.memory_space<vmem>>, vector<16xi32>,
      %broadcast_in_dim3A_52 = arith.constant 1 : i32
      %broadcast_in_dim3A_53 = vector.broadcast %broadcast_in_dim3A_52 : i32 to vector<16x1xi32>
      %gather3A_54 = vector.shape_cast %broadcast_in_dim3A_53 : vector<16x1xi32> to vector<16xi32>
      %gather3A_55 = tpu.dynamic_gather %get3A_14[%gather3A_54] in [0] : vector<16xi32>, vector<16xi32> -> vector<16xi32>
      %mul3A_56 = arith.constant 16 : i32
      %mul3A_57 = arith.muli %scan3A_10, %mul3A_56 : i32
      %add3A_58 = arith.constant 1 : i32
      %add3A_59 = arith.addi %mul3A_57, %add3A_58 : i32
      %mul3A_60 = arith.constant 64 : i32
      %mul3A_61 = arith.muli %add3A_59, %mul3A_60 : i32
      %add3A_62 = arith.constant 0 : i32
      %add3A_63 = arith.addi %mul3A_61, %add3A_62 : i32
      %swap3A_64 = arith.index_cast %add3A_63 : i32 to index
      %swap3A_65 = tpu.vector_load %arg5[%swap3A_64] {strides = array<i32>} : memref<32768xi32, #tpu.memory_space<vmem>>, vector<16xi32>,
      %swap3A_66 = vector.shape_cast %swap3A_65 : vector<16xi32> to vector<16xi32>
      %swap3A_67 = vector.shape_cast %gather3A_55 : vector<16xi32> to vector<16xi32>
      tpu.vector_store %arg5[%swap3A_64], %swap3A_67 {strides = array<i32>} : memref<32768xi32, #tpu.memory_space<vmem>>, vector<16xi32>,
      %mul3A_68 = arith.constant 64 : i32
      %mul3A_69 = arith.muli %add3A_59, %mul3A_68 : i32
      %add3A_70 = arith.constant 16 : i32
      %add3A_71 = arith.addi %mul3A_69, %add3A_70 : i32
      %swap3A_72 = arith.index_cast %add3A_71 : i32 to index
      %swap3A_73 = tpu.vector_load %arg5[%swap3A_72] {strides = array<i32>} : memref<32768xi32, #tpu.memory_space<vmem>>, vector<16xi32>,
      %swap3A_74 = vector.shape_cast %swap3A_73 : vector<16xi32> to vector<16xi32>
      %swap3A_75 = vector.shape_cast %gather3A_55 : vector<16xi32> to vector<16xi32>
      tpu.vector_store %arg5[%swap3A_72], %swap3A_75 {strides = array<i32>} : memref<32768xi32, #tpu.memory_space<vmem>>, vector<16xi32>,
      %mul3A_76 = arith.constant 64 : i32
      %mul3A_77 = arith.muli %add3A_59, %mul3A_76 : i32
      %add3A_78 = arith.constant 32 : i32
      %add3A_79 = arith.addi %mul3A_77, %add3A_78 : i32
      %swap3A_80 = arith.index_cast %add3A_79 : i32 to index
      %swap3A_81 = tpu.vector_load %arg5[%swap3A_80] {strides = array<i32>} : memref<32768xi32, #tpu.memory_space<vmem>>, vector<16xi32>,
      %swap3A_82 = vector.shape_cast %swap3A_81 : vector<16xi32> to vector<16xi32>
      %swap3A_83 = vector.shape_cast %gather3A_55 : vector<16xi32> to vector<16xi32>
      tpu.vector_store %arg5[%swap3A_80], %swap3A_83 {strides = array<i32>} : memref<32768xi32, #tpu.memory_space<vmem>>, vector<16xi32>,
      %mul3A_84 = arith.constant 64 : i32
      %mul3A_85 = arith.muli %add3A_59, %mul3A_84 : i32
      %add3A_86 = arith.constant 48 : i32
      %add3A_87 = arith.addi %mul3A_85, %add3A_86 : i32
      %swap3A_88 = arith.index_cast %add3A_87 : i32 to index
      %swap3A_89 = tpu.vector_load %arg5[%swap3A_88] {strides = array<i32>} : memref<32768xi32, #tpu.memory_space<vmem>>, vector<16xi32>,
      %swap3A_90 = vector.shape_cast %swap3A_89 : vector<16xi32> to vector<16xi32>
      %swap3A_91 = vector.shape_cast %gather3A_55 : vector<16xi32> to vector<16xi32>
      tpu.vector_store %arg5[%swap3A_88], %swap3A_91 {strides = array<i32>} : memref<32768xi32, #tpu.memory_space<vmem>>, vector<16xi32>,
      %broadcast_in_dim3A_92 = arith.constant 2 : i32
      %broadcast_in_dim3A_93 = vector.broadcast %broadcast_in_dim3A_92 : i32 to vector<16x1xi32>
      %gather3A_94 = vector.shape_cast %broadcast_in_dim3A_93 : vector<16x1xi32> to vector<16xi32>
      %gather3A_95 = tpu.dynamic_gather %get3A_14[%gather3A_94] in [0] : vector<16xi32>, vector<16xi32> -> vector<16xi32>
      %mul3A_96 = arith.constant 16 : i32
      %mul3A_97 = arith.muli %scan3A_10, %mul3A_96 : i32
      %add3A_98 = arith.constant 2 : i32
      %add3A_99 = arith.addi %mul3A_97, %add3A_98 : i32
      %mul3A_100 = arith.constant 64 : i32
      %mul3A_101 = arith.muli %add3A_99, %mul3A_100 : i32
      %add3A_102 = arith.constant 0 : i32
      %add3A_103 = arith.addi %mul3A_101, %add3A_102 : i32
      %swap3A_104 = arith.index_cast %add3A_103 : i32 to index
      %swap3A_105 = tpu.vector_load %arg5[%swap3A_104] {strides = array<i32>} : memref<32768xi32, #tpu.memory_space<vmem>>, vector<16xi32>,
      %swap3A_106 = vector.shape_cast %swap3A_105 : vector<16xi32> to vector<16xi32>
      %swap3A_107 = vector.shape_cast %gather3A_95 : vector<16xi32> to vector<16xi32>
      tpu.vector_store %arg5[%swap3A_104], %swap3A_107 {strides = array<i32>} : memref<32768xi32, #tpu.memory_space<vmem>>, vector<16xi32>,
      %mul3A_108 = arith.constant 64 : i32
      %mul3A_109 = arith.muli %add3A_99, %mul3A_108 : i32
      %add3A_110 = arith.constant 16 : i32
      %add3A_111 = arith.addi %mul3A_109, %add3A_110 : i32
      %swap3A_112 = arith.index_cast %add3A_111 : i32 to index
      %swap3A_113 = tpu.vector_load %arg5[%swap3A_112] {strides = array<i32>} : memref<32768xi32, #tpu.memory_space<vmem>>, vector<16xi32>,
      %swap3A_114 = vector.shape_cast %swap3A_113 : vector<16xi32> to vector<16xi32>
      %swap3A_115 = vector.shape_cast %gather3A_95 : vector<16xi32> to vector<16xi32>
      tpu.vector_store %arg5[%swap3A_112], %swap3A_115 {strides = array<i32>} : memref<32768xi32, #tpu.memory_space<vmem>>, vector<16xi32>,
      %mul3A_116 = arith.constant 64 : i32
      %mul3A_117 = arith.muli %add3A_99, %mul3A_116 : i32
      %add3A_118 = arith.constant 32 : i32
      %add3A_119 = arith.addi %mul3A_117, %add3A_118 : i32
      %swap3A_120 = arith.index_cast %add3A_119 : i32 to index
      %swap3A_121 = tpu.vector_load %arg5[%swap3A_120] {strides = array<i32>} : memref<32768xi32, #tpu.memory_space<vmem>>, vector<16xi32>,
      %swap3A_122 = vector.shape_cast %swap3A_121 : vector<16xi32> to vector<16xi32>
      %swap3A_123 = vector.shape_cast %gather3A_95 : vector<16xi32> to vector<16xi32>
      tpu.vector_store %arg5[%swap3A_120], %swap3A_123 {strides = array<i32>} : memref<32768xi32, #tpu.memory_space<vmem>>, vector<16xi32>,
      %mul3A_124 = arith.constant 64 : i32
      %mul3A_125 = arith.muli %add3A_99, %mul3A_124 : i32
      %add3A_126 = arith.constant 48 : i32
      %add3A_127 = arith.addi %mul3A_125, %add3A_126 : i32
      %swap3A_128 = arith.index_cast %add3A_127 : i32 to index
      %swap3A_129 = tpu.vector_load %arg5[%swap3A_128] {strides = array<i32>} : memref<32768xi32, #tpu.memory_space<vmem>>, vector<16xi32>,
      %swap3A_130 = vector.shape_cast %swap3A_129 : vector<16xi32> to vector<16xi32>
      %swap3A_131 = vector.shape_cast %gather3A_95 : vector<16xi32> to vector<16xi32>
      tpu.vector_store %arg5[%swap3A_128], %swap3A_131 {strides = array<i32>} : memref<32768xi32, #tpu.memory_space<vmem>>, vector<16xi32>,
      %broadcast_in_dim3A_132 = arith.constant 3 : i32
      %broadcast_in_dim3A_133 = vector.broadcast %broadcast_in_dim3A_132 : i32 to vector<16x1xi32>
      %gather3A_134 = vector.shape_cast %broadcast_in_dim3A_133 : vector<16x1xi32> to vector<16xi32>
      %gather3A_135 = tpu.dynamic_gather %get3A_14[%gather3A_134] in [0] : vector<16xi32>, vector<16xi32> -> vector<16xi32>
      %mul3A_136 = arith.constant 16 : i32
      %mul3A_137 = arith.muli %scan3A_10, %mul3A_136 : i32
      %add3A_138 = arith.constant 3 : i32
      %add3A_139 = arith.addi %mul3A_137, %add3A_138 : i32
      %mul3A_140 = arith.constant 64 : i32
      %mul3A_141 = arith.muli %add3A_139, %mul3A_140 : i32
      %add3A_142 = arith.constant 0 : i32
      %add3A_143 = arith.addi %mul3A_141, %add3A_142 : i32
      %swap3A_144 = arith.index_cast %add3A_143 : i32 to index
      %swap3A_145 = tpu.vector_load %arg5[%swap3A_144] {strides = array<i32>} : memref<32768xi32, #tpu.memory_space<vmem>>, vector<16xi32>,
      %swap3A_146 = vector.shape_cast %swap3A_145 : vector<16xi32> to vector<16xi32>
      %swap3A_147 = vector.shape_cast %gather3A_135 : vector<16xi32> to vector<16xi32>
      tpu.vector_store %arg5[%swap3A_144], %swap3A_147 {strides = array<i32>} : memref<32768xi32, #tpu.memory_space<vmem>>, vector<16xi32>,
      %mul3A_148 = arith.constant 64 : i32
      %mul3A_149 = arith.muli %add3A_139, %mul3A_148 : i32
      %add3A_150 = arith.constant 16 : i32
      %add3A_151 = arith.addi %mul3A_149, %add3A_150 : i32
      %swap3A_152 = arith.index_cast %add3A_151 : i32 to index
      %swap3A_153 = tpu.vector_load %arg5[%swap3A_152] {strides = array<i32>} : memref<32768xi32, #tpu.memory_space<vmem>>, vector<16xi32>,
      %swap3A_154 = vector.shape_cast %swap3A_153 : vector<16xi32> to vector<16xi32>
      %swap3A_155 = vector.shape_cast %gather3A_135 : vector<16xi32> to vector<16xi32>
      tpu.vector_store %arg5[%swap3A_152], %swap3A_155 {strides = array<i32>} : memref<32768xi32, #tpu.memory_space<vmem>>, vector<16xi32>,
      %mul3A_156 = arith.constant 64 : i32
      %mul3A_157 = arith.muli %add3A_139, %mul3A_156 : i32
      %add3A_158 = arith.constant 32 : i32
      %add3A_159 = arith.addi %mul3A_157, %add3A_158 : i32
      %swap3A_160 = arith.index_cast %add3A_159 : i32 to index
      %swap3A_161 = tpu.vector_load %arg5[%swap3A_160] {strides = array<i32>} : memref<32768xi32, #tpu.memory_space<vmem>>, vector<16xi32>,
      %swap3A_162 = vector.shape_cast %swap3A_161 : vector<16xi32> to vector<16xi32>
      %swap3A_163 = vector.shape_cast %gather3A_135 : vector<16xi32> to vector<16xi32>
      tpu.vector_store %arg5[%swap3A_160], %swap3A_163 {strides = array<i32>} : memref<32768xi32, #tpu.memory_space<vmem>>, vector<16xi32>,
      %mul3A_164 = arith.constant 64 : i32
      %mul3A_165 = arith.muli %add3A_139, %mul3A_164 : i32
      %add3A_166 = arith.constant 48 : i32
      %add3A_167 = arith.addi %mul3A_165, %add3A_166 : i32
      %swap3A_168 = arith.index_cast %add3A_167 : i32 to index
      %swap3A_169 = tpu.vector_load %arg5[%swap3A_168] {strides = array<i32>} : memref<32768xi32, #tpu.memory_space<vmem>>, vector<16xi32>,
      %swap3A_170 = vector.shape_cast %swap3A_169 : vector<16xi32> to vector<16xi32>
      %swap3A_171 = vector.shape_cast %gather3A_135 : vector<16xi32> to vector<16xi32>
      tpu.vector_store %arg5[%swap3A_168], %swap3A_171 {strides = array<i32>} : memref<32768xi32, #tpu.memory_space<vmem>>, vector<16xi32>,
      %broadcast_in_dim3A_172 = arith.constant 4 : i32
      %broadcast_in_dim3A_173 = vector.broadcast %broadcast_in_dim3A_172 : i32 to vector<16x1xi32>
      %gather3A_174 = vector.shape_cast %broadcast_in_dim3A_173 : vector<16x1xi32> to vector<16xi32>
      %gather3A_175 = tpu.dynamic_gather %get3A_14[%gather3A_174] in [0] : vector<16xi32>, vector<16xi32> -> vector<16xi32>
      %mul3A_176 = arith.constant 16 : i32
      %mul3A_177 = arith.muli %scan3A_10, %mul3A_176 : i32
      %add3A_178 = arith.constant 4 : i32
      %add3A_179 = arith.addi %mul3A_177, %add3A_178 : i32
      %mul3A_180 = arith.constant 64 : i32
      %mul3A_181 = arith.muli %add3A_179, %mul3A_180 : i32
      %add3A_182 = arith.constant 0 : i32
      %add3A_183 = arith.addi %mul3A_181, %add3A_182 : i32
      %swap3A_184 = arith.index_cast %add3A_183 : i32 to index
      %swap3A_185 = tpu.vector_load %arg5[%swap3A_184] {strides = array<i32>} : memref<32768xi32, #tpu.memory_space<vmem>>, vector<16xi32>,
      %swap3A_186 = vector.shape_cast %swap3A_185 : vector<16xi32> to vector<16xi32>
      %swap3A_187 = vector.shape_cast %gather3A_175 : vector<16xi32> to vector<16xi32>
      tpu.vector_store %arg5[%swap3A_184], %swap3A_187 {strides = array<i32>} : memref<32768xi32, #tpu.memory_space<vmem>>, vector<16xi32>,
      %mul3A_188 = arith.constant 64 : i32
      %mul3A_189 = arith.muli %add3A_179, %mul3A_188 : i32
      %add3A_190 = arith.constant 16 : i32
      %add3A_191 = arith.addi %mul3A_189, %add3A_190 : i32
      %swap3A_192 = arith.index_cast %add3A_191 : i32 to index
      %swap3A_193 = tpu.vector_load %arg5[%swap3A_192] {strides = array<i32>} : memref<32768xi32, #tpu.memory_space<vmem>>, vector<16xi32>,
      %swap3A_194 = vector.shape_cast %swap3A_193 : vector<16xi32> to vector<16xi32>
      %swap3A_195 = vector.shape_cast %gather3A_175 : vector<16xi32> to vector<16xi32>
      tpu.vector_store %arg5[%swap3A_192], %swap3A_195 {strides = array<i32>} : memref<32768xi32, #tpu.memory_space<vmem>>, vector<16xi32>,
      %mul3A_196 = arith.constant 64 : i32
      %mul3A_197 = arith.muli %add3A_179, %mul3A_196 : i32
      %add3A_198 = arith.constant 32 : i32
      %add3A_199 = arith.addi %mul3A_197, %add3A_198 : i32
      %swap3A_200 = arith.index_cast %add3A_199 : i32 to index
      %swap3A_201 = tpu.vector_load %arg5[%swap3A_200] {strides = array<i32>} : memref<32768xi32, #tpu.memory_space<vmem>>, vector<16xi32>,
      %swap3A_202 = vector.shape_cast %swap3A_201 : vector<16xi32> to vector<16xi32>
      %swap3A_203 = vector.shape_cast %gather3A_175 : vector<16xi32> to vector<16xi32>
      tpu.vector_store %arg5[%swap3A_200], %swap3A_203 {strides = array<i32>} : memref<32768xi32, #tpu.memory_space<vmem>>, vector<16xi32>,
      %mul3A_204 = arith.constant 64 : i32
      %mul3A_205 = arith.muli %add3A_179, %mul3A_204 : i32
      %add3A_206 = arith.constant 48 : i32
      %add3A_207 = arith.addi %mul3A_205, %add3A_206 : i32
      %swap3A_208 = arith.index_cast %add3A_207 : i32 to index
      %swap3A_209 = tpu.vector_load %arg5[%swap3A_208] {strides = array<i32>} : memref<32768xi32, #tpu.memory_space<vmem>>, vector<16xi32>,
      %swap3A_210 = vector.shape_cast %swap3A_209 : vector<16xi32> to vector<16xi32>
      %swap3A_211 = vector.shape_cast %gather3A_175 : vector<16xi32> to vector<16xi32>
      tpu.vector_store %arg5[%swap3A_208], %swap3A_211 {strides = array<i32>} : memref<32768xi32, #tpu.memory_space<vmem>>, vector<16xi32>,
      %broadcast_in_dim3A_212 = arith.constant 5 : i32
      %broadcast_in_dim3A_213 = vector.broadcast %broadcast_in_dim3A_212 : i32 to vector<16x1xi32>
      %gather3A_214 = vector.shape_cast %broadcast_in_dim3A_213 : vector<16x1xi32> to vector<16xi32>
      %gather3A_215 = tpu.dynamic_gather %get3A_14[%gather3A_214] in [0] : vector<16xi32>, vector<16xi32> -> vector<16xi32>
      %mul3A_216 = arith.constant 16 : i32
      %mul3A_217 = arith.muli %scan3A_10, %mul3A_216 : i32
      %add3A_218 = arith.constant 5 : i32
      %add3A_219 = arith.addi %mul3A_217, %add3A_218 : i32
      %mul3A_220 = arith.constant 64 : i32
      %mul3A_221 = arith.muli %add3A_219, %mul3A_220 : i32
      %add3A_222 = arith.constant 0 : i32
      %add3A_223 = arith.addi %mul3A_221, %add3A_222 : i32
      %swap3A_224 = arith.index_cast %add3A_223 : i32 to index
      %swap3A_225 = tpu.vector_load %arg5[%swap3A_224] {strides = array<i32>} : memref<32768xi32, #tpu.memory_space<vmem>>, vector<16xi32>,
      %swap3A_226 = vector.shape_cast %swap3A_225 : vector<16xi32> to vector<16xi32>
      %swap3A_227 = vector.shape_cast %gather3A_215 : vector<16xi32> to vector<16xi32>
      tpu.vector_store %arg5[%swap3A_224], %swap3A_227 {strides = array<i32>} : memref<32768xi32, #tpu.memory_space<vmem>>, vector<16xi32>,
      %mul3A_228 = arith.constant 64 : i32
      %mul3A_229 = arith.muli %add3A_219, %mul3A_228 : i32
      %add3A_230 = arith.constant 16 : i32
      %add3A_231 = arith.addi %mul3A_229, %add3A_230 : i32
      %swap3A_232 = arith.index_cast %add3A_231 : i32 to index
      %swap3A_233 = tpu.vector_load %arg5[%swap3A_232] {strides = array<i32>} : memref<32768xi32, #tpu.memory_space<vmem>>, vector<16xi32>,
      %swap3A_234 = vector.shape_cast %swap3A_233 : vector<16xi32> to vector<16xi32>
      %swap3A_235 = vector.shape_cast %gather3A_215 : vector<16xi32> to vector<16xi32>
      tpu.vector_store %arg5[%swap3A_232], %swap3A_235 {strides = array<i32>} : memref<32768xi32, #tpu.memory_space<vmem>>, vector<16xi32>,
      %mul3A_236 = arith.constant 64 : i32
      %mul3A_237 = arith.muli %add3A_219, %mul3A_236 : i32
      %add3A_238 = arith.constant 32 : i32
      %add3A_239 = arith.addi %mul3A_237, %add3A_238 : i32
      %swap3A_240 = arith.index_cast %add3A_239 : i32 to index
      %swap3A_241 = tpu.vector_load %arg5[%swap3A_240] {strides = array<i32>} : memref<32768xi32, #tpu.memory_space<vmem>>, vector<16xi32>,
      %swap3A_242 = vector.shape_cast %swap3A_241 : vector<16xi32> to vector<16xi32>
      %swap3A_243 = vector.shape_cast %gather3A_215 : vector<16xi32> to vector<16xi32>
      tpu.vector_store %arg5[%swap3A_240], %swap3A_243 {strides = array<i32>} : memref<32768xi32, #tpu.memory_space<vmem>>, vector<16xi32>,
      %mul3A_244 = arith.constant 64 : i32
      %mul3A_245 = arith.muli %add3A_219, %mul3A_244 : i32
      %add3A_246 = arith.constant 48 : i32
      %add3A_247 = arith.addi %mul3A_245, %add3A_246 : i32
      %swap3A_248 = arith.index_cast %add3A_247 : i32 to index
      %swap3A_249 = tpu.vector_load %arg5[%swap3A_248] {strides = array<i32>} : memref<32768xi32, #tpu.memory_space<vmem>>, vector<16xi32>,
      %swap3A_250 = vector.shape_cast %swap3A_249 : vector<16xi32> to vector<16xi32>
      %swap3A_251 = vector.shape_cast %gather3A_215 : vector<16xi32> to vector<16xi32>
      tpu.vector_store %arg5[%swap3A_248], %swap3A_251 {strides = array<i32>} : memref<32768xi32, #tpu.memory_space<vmem>>, vector<16xi32>,
      %broadcast_in_dim3A_252 = arith.constant 6 : i32
      %broadcast_in_dim3A_253 = vector.broadcast %broadcast_in_dim3A_252 : i32 to vector<16x1xi32>
      %gather3A_254 = vector.shape_cast %broadcast_in_dim3A_253 : vector<16x1xi32> to vector<16xi32>
      %gather3A_255 = tpu.dynamic_gather %get3A_14[%gather3A_254] in [0] : vector<16xi32>, vector<16xi32> -> vector<16xi32>
      %mul3A_256 = arith.constant 16 : i32
      %mul3A_257 = arith.muli %scan3A_10, %mul3A_256 : i32
      %add3A_258 = arith.constant 6 : i32
      %add3A_259 = arith.addi %mul3A_257, %add3A_258 : i32
      %mul3A_260 = arith.constant 64 : i32
      %mul3A_261 = arith.muli %add3A_259, %mul3A_260 : i32
      %add3A_262 = arith.constant 0 : i32
      %add3A_263 = arith.addi %mul3A_261, %add3A_262 : i32
      %swap3A_264 = arith.index_cast %add3A_263 : i32 to index
      %swap3A_265 = tpu.vector_load %arg5[%swap3A_264] {strides = array<i32>} : memref<32768xi32, #tpu.memory_space<vmem>>, vector<16xi32>,
      %swap3A_266 = vector.shape_cast %swap3A_265 : vector<16xi32> to vector<16xi32>
      %swap3A_267 = vector.shape_cast %gather3A_255 : vector<16xi32> to vector<16xi32>
      tpu.vector_store %arg5[%swap3A_264], %swap3A_267 {strides = array<i32>} : memref<32768xi32, #tpu.memory_space<vmem>>, vector<16xi32>,
      %mul3A_268 = arith.constant 64 : i32
      %mul3A_269 = arith.muli %add3A_259, %mul3A_268 : i32
      %add3A_270 = arith.constant 16 : i32
      %add3A_271 = arith.addi %mul3A_269, %add3A_270 : i32
      %swap3A_272 = arith.index_cast %add3A_271 : i32 to index
      %swap3A_273 = tpu.vector_load %arg5[%swap3A_272] {strides = array<i32>} : memref<32768xi32, #tpu.memory_space<vmem>>, vector<16xi32>,
      %swap3A_274 = vector.shape_cast %swap3A_273 : vector<16xi32> to vector<16xi32>
      %swap3A_275 = vector.shape_cast %gather3A_255 : vector<16xi32> to vector<16xi32>
      tpu.vector_store %arg5[%swap3A_272], %swap3A_275 {strides = array<i32>} : memref<32768xi32, #tpu.memory_space<vmem>>, vector<16xi32>,
      %mul3A_276 = arith.constant 64 : i32
      %mul3A_277 = arith.muli %add3A_259, %mul3A_276 : i32
      %add3A_278 = arith.constant 32 : i32
      %add3A_279 = arith.addi %mul3A_277, %add3A_278 : i32
      %swap3A_280 = arith.index_cast %add3A_279 : i32 to index
      %swap3A_281 = tpu.vector_load %arg5[%swap3A_280] {strides = array<i32>} : memref<32768xi32, #tpu.memory_space<vmem>>, vector<16xi32>,
      %swap3A_282 = vector.shape_cast %swap3A_281 : vector<16xi32> to vector<16xi32>
      %swap3A_283 = vector.shape_cast %gather3A_255 : vector<16xi32> to vector<16xi32>
      tpu.vector_store %arg5[%swap3A_280], %swap3A_283 {strides = array<i32>} : memref<32768xi32, #tpu.memory_space<vmem>>, vector<16xi32>,
      %mul3A_284 = arith.constant 64 : i32
      %mul3A_285 = arith.muli %add3A_259, %mul3A_284 : i32
      %add3A_286 = arith.constant 48 : i32
      %add3A_287 = arith.addi %mul3A_285, %add3A_286 : i32
      %swap3A_288 = arith.index_cast %add3A_287 : i32 to index
      %swap3A_289 = tpu.vector_load %arg5[%swap3A_288] {strides = array<i32>} : memref<32768xi32, #tpu.memory_space<vmem>>, vector<16xi32>,
      %swap3A_290 = vector.shape_cast %swap3A_289 : vector<16xi32> to vector<16xi32>
      %swap3A_291 = vector.shape_cast %gather3A_255 : vector<16xi32> to vector<16xi32>
      tpu.vector_store %arg5[%swap3A_288], %swap3A_291 {strides = array<i32>} : memref<32768xi32, #tpu.memory_space<vmem>>, vector<16xi32>,
      %broadcast_in_dim3A_292 = arith.constant 7 : i32
      %broadcast_in_dim3A_293 = vector.broadcast %broadcast_in_dim3A_292 : i32 to vector<16x1xi32>
      %gather3A_294 = vector.shape_cast %broadcast_in_dim3A_293 : vector<16x1xi32> to vector<16xi32>
      %gather3A_295 = tpu.dynamic_gather %get3A_14[%gather3A_294] in [0] : vector<16xi32>, vector<16xi32> -> vector<16xi32>
      %mul3A_296 = arith.constant 16 : i32
      %mul3A_297 = arith.muli %scan3A_10, %mul3A_296 : i32
      %add3A_298 = arith.constant 7 : i32
      %add3A_299 = arith.addi %mul3A_297, %add3A_298 : i32
      %mul3A_300 = arith.constant 64 : i32
      %mul3A_301 = arith.muli %add3A_299, %mul3A_300 : i32
      %add3A_302 = arith.constant 0 : i32
      %add3A_303 = arith.addi %mul3A_301, %add3A_302 : i32
      %swap3A_304 = arith.index_cast %add3A_303 : i32 to index
      %swap3A_305 = tpu.vector_load %arg5[%swap3A_304] {strides = array<i32>} : memref<32768xi32, #tpu.memory_space<vmem>>, vector<16xi32>,
      %swap3A_306 = vector.shape_cast %swap3A_305 : vector<16xi32> to vector<16xi32>
      %swap3A_307 = vector.shape_cast %gather3A_295 : vector<16xi32> to vector<16xi32>
      tpu.vector_store %arg5[%swap3A_304], %swap3A_307 {strides = array<i32>} : memref<32768xi32, #tpu.memory_space<vmem>>, vector<16xi32>,
      %mul3A_308 = arith.constant 64 : i32
      %mul3A_309 = arith.muli %add3A_299, %mul3A_308 : i32
      %add3A_310 = arith.constant 16 : i32
      %add3A_311 = arith.addi %mul3A_309, %add3A_310 : i32
      %swap3A_312 = arith.index_cast %add3A_311 : i32 to index
      %swap3A_313 = tpu.vector_load %arg5[%swap3A_312] {strides = array<i32>} : memref<32768xi32, #tpu.memory_space<vmem>>, vector<16xi32>,
      %swap3A_314 = vector.shape_cast %swap3A_313 : vector<16xi32> to vector<16xi32>
      %swap3A_315 = vector.shape_cast %gather3A_295 : vector<16xi32> to vector<16xi32>
      tpu.vector_store %arg5[%swap3A_312], %swap3A_315 {strides = array<i32>} : memref<32768xi32, #tpu.memory_space<vmem>>, vector<16xi32>,
      %mul3A_316 = arith.constant 64 : i32
      %mul3A_317 = arith.muli %add3A_299, %mul3A_316 : i32
      %add3A_318 = arith.constant 32 : i32
      %add3A_319 = arith.addi %mul3A_317, %add3A_318 : i32
      %swap3A_320 = arith.index_cast %add3A_319 : i32 to index
      %swap3A_321 = tpu.vector_load %arg5[%swap3A_320] {strides = array<i32>} : memref<32768xi32, #tpu.memory_space<vmem>>, vector<16xi32>,
      %swap3A_322 = vector.shape_cast %swap3A_321 : vector<16xi32> to vector<16xi32>
      %swap3A_323 = vector.shape_cast %gather3A_295 : vector<16xi32> to vector<16xi32>
      tpu.vector_store %arg5[%swap3A_320], %swap3A_323 {strides = array<i32>} : memref<32768xi32, #tpu.memory_space<vmem>>, vector<16xi32>,
      %mul3A_324 = arith.constant 64 : i32
      %mul3A_325 = arith.muli %add3A_299, %mul3A_324 : i32
      %add3A_326 = arith.constant 48 : i32
      %add3A_327 = arith.addi %mul3A_325, %add3A_326 : i32
      %swap3A_328 = arith.index_cast %add3A_327 : i32 to index
      %swap3A_329 = tpu.vector_load %arg5[%swap3A_328] {strides = array<i32>} : memref<32768xi32, #tpu.memory_space<vmem>>, vector<16xi32>,
      %swap3A_330 = vector.shape_cast %swap3A_329 : vector<16xi32> to vector<16xi32>
      %swap3A_331 = vector.shape_cast %gather3A_295 : vector<16xi32> to vector<16xi32>
      tpu.vector_store %arg5[%swap3A_328], %swap3A_331 {strides = array<i32>} : memref<32768xi32, #tpu.memory_space<vmem>>, vector<16xi32>,
      %broadcast_in_dim3A_332 = arith.constant 8 : i32
      %broadcast_in_dim3A_333 = vector.broadcast %broadcast_in_dim3A_332 : i32 to vector<16x1xi32>
      %gather3A_334 = vector.shape_cast %broadcast_in_dim3A_333 : vector<16x1xi32> to vector<16xi32>
      %gather3A_335 = tpu.dynamic_gather %get3A_14[%gather3A_334] in [0] : vector<16xi32>, vector<16xi32> -> vector<16xi32>
      %mul3A_336 = arith.constant 16 : i32
      %mul3A_337 = arith.muli %scan3A_10, %mul3A_336 : i32
      %add3A_338 = arith.constant 8 : i32
      %add3A_339 = arith.addi %mul3A_337, %add3A_338 : i32
      %mul3A_340 = arith.constant 64 : i32
      %mul3A_341 = arith.muli %add3A_339, %mul3A_340 : i32
      %add3A_342 = arith.constant 0 : i32
      %add3A_343 = arith.addi %mul3A_341, %add3A_342 : i32
      %swap3A_344 = arith.index_cast %add3A_343 : i32 to index
      %swap3A_345 = tpu.vector_load %arg5[%swap3A_344] {strides = array<i32>} : memref<32768xi32, #tpu.memory_space<vmem>>, vector<16xi32>,
      %swap3A_346 = vector.shape_cast %swap3A_345 : vector<16xi32> to vector<16xi32>
      %swap3A_347 = vector.shape_cast %gather3A_335 : vector<16xi32> to vector<16xi32>
      tpu.vector_store %arg5[%swap3A_344], %swap3A_347 {strides = array<i32>} : memref<32768xi32, #tpu.memory_space<vmem>>, vector<16xi32>,
      %mul3A_348 = arith.constant 64 : i32
      %mul3A_349 = arith.muli %add3A_339, %mul3A_348 : i32
      %add3A_350 = arith.constant 16 : i32
      %add3A_351 = arith.addi %mul3A_349, %add3A_350 : i32
      %swap3A_352 = arith.index_cast %add3A_351 : i32 to index
      %swap3A_353 = tpu.vector_load %arg5[%swap3A_352] {strides = array<i32>} : memref<32768xi32, #tpu.memory_space<vmem>>, vector<16xi32>,
      %swap3A_354 = vector.shape_cast %swap3A_353 : vector<16xi32> to vector<16xi32>
      %swap3A_355 = vector.shape_cast %gather3A_335 : vector<16xi32> to vector<16xi32>
      tpu.vector_store %arg5[%swap3A_352], %swap3A_355 {strides = array<i32>} : memref<32768xi32, #tpu.memory_space<vmem>>, vector<16xi32>,
      %mul3A_356 = arith.constant 64 : i32
      %mul3A_357 = arith.muli %add3A_339, %mul3A_356 : i32
      %add3A_358 = arith.constant 32 : i32
      %add3A_359 = arith.addi %mul3A_357, %add3A_358 : i32
      %swap3A_360 = arith.index_cast %add3A_359 : i32 to index
      %swap3A_361 = tpu.vector_load %arg5[%swap3A_360] {strides = array<i32>} : memref<32768xi32, #tpu.memory_space<vmem>>, vector<16xi32>,
      %swap3A_362 = vector.shape_cast %swap3A_361 : vector<16xi32> to vector<16xi32>
      %swap3A_363 = vector.shape_cast %gather3A_335 : vector<16xi32> to vector<16xi32>
      tpu.vector_store %arg5[%swap3A_360], %swap3A_363 {strides = array<i32>} : memref<32768xi32, #tpu.memory_space<vmem>>, vector<16xi32>,
      %mul3A_364 = arith.constant 64 : i32
      %mul3A_365 = arith.muli %add3A_339, %mul3A_364 : i32
      %add3A_366 = arith.constant 48 : i32
      %add3A_367 = arith.addi %mul3A_365, %add3A_366 : i32
      %swap3A_368 = arith.index_cast %add3A_367 : i32 to index
      %swap3A_369 = tpu.vector_load %arg5[%swap3A_368] {strides = array<i32>} : memref<32768xi32, #tpu.memory_space<vmem>>, vector<16xi32>,
      %swap3A_370 = vector.shape_cast %swap3A_369 : vector<16xi32> to vector<16xi32>
      %swap3A_371 = vector.shape_cast %gather3A_335 : vector<16xi32> to vector<16xi32>
      tpu.vector_store %arg5[%swap3A_368], %swap3A_371 {strides = array<i32>} : memref<32768xi32, #tpu.memory_space<vmem>>, vector<16xi32>,
      %broadcast_in_dim3A_372 = arith.constant 9 : i32
      %broadcast_in_dim3A_373 = vector.broadcast %broadcast_in_dim3A_372 : i32 to vector<16x1xi32>
      %gather3A_374 = vector.shape_cast %broadcast_in_dim3A_373 : vector<16x1xi32> to vector<16xi32>
      %gather3A_375 = tpu.dynamic_gather %get3A_14[%gather3A_374] in [0] : vector<16xi32>, vector<16xi32> -> vector<16xi32>
      %mul3A_376 = arith.constant 16 : i32
      %mul3A_377 = arith.muli %scan3A_10, %mul3A_376 : i32
      %add3A_378 = arith.constant 9 : i32
      %add3A_379 = arith.addi %mul3A_377, %add3A_378 : i32
      %mul3A_380 = arith.constant 64 : i32
      %mul3A_381 = arith.muli %add3A_379, %mul3A_380 : i32
      %add3A_382 = arith.constant 0 : i32
      %add3A_383 = arith.addi %mul3A_381, %add3A_382 : i32
      %swap3A_384 = arith.index_cast %add3A_383 : i32 to index
      %swap3A_385 = tpu.vector_load %arg5[%swap3A_384] {strides = array<i32>} : memref<32768xi32, #tpu.memory_space<vmem>>, vector<16xi32>,
      %swap3A_386 = vector.shape_cast %swap3A_385 : vector<16xi32> to vector<16xi32>
      %swap3A_387 = vector.shape_cast %gather3A_375 : vector<16xi32> to vector<16xi32>
      tpu.vector_store %arg5[%swap3A_384], %swap3A_387 {strides = array<i32>} : memref<32768xi32, #tpu.memory_space<vmem>>, vector<16xi32>,
      %mul3A_388 = arith.constant 64 : i32
      %mul3A_389 = arith.muli %add3A_379, %mul3A_388 : i32
      %add3A_390 = arith.constant 16 : i32
      %add3A_391 = arith.addi %mul3A_389, %add3A_390 : i32
      %swap3A_392 = arith.index_cast %add3A_391 : i32 to index
      %swap3A_393 = tpu.vector_load %arg5[%swap3A_392] {strides = array<i32>} : memref<32768xi32, #tpu.memory_space<vmem>>, vector<16xi32>,
      %swap3A_394 = vector.shape_cast %swap3A_393 : vector<16xi32> to vector<16xi32>
      %swap3A_395 = vector.shape_cast %gather3A_375 : vector<16xi32> to vector<16xi32>
      tpu.vector_store %arg5[%swap3A_392], %swap3A_395 {strides = array<i32>} : memref<32768xi32, #tpu.memory_space<vmem>>, vector<16xi32>,
      %mul3A_396 = arith.constant 64 : i32
      %mul3A_397 = arith.muli %add3A_379, %mul3A_396 : i32
      %add3A_398 = arith.constant 32 : i32
      %add3A_399 = arith.addi %mul3A_397, %add3A_398 : i32
      %swap3A_400 = arith.index_cast %add3A_399 : i32 to index
      %swap3A_401 = tpu.vector_load %arg5[%swap3A_400] {strides = array<i32>} : memref<32768xi32, #tpu.memory_space<vmem>>, vector<16xi32>,
      %swap3A_402 = vector.shape_cast %swap3A_401 : vector<16xi32> to vector<16xi32>
      %swap3A_403 = vector.shape_cast %gather3A_375 : vector<16xi32> to vector<16xi32>
      tpu.vector_store %arg5[%swap3A_400], %swap3A_403 {strides = array<i32>} : memref<32768xi32, #tpu.memory_space<vmem>>, vector<16xi32>,
      %mul3A_404 = arith.constant 64 : i32
      %mul3A_405 = arith.muli %add3A_379, %mul3A_404 : i32
      %add3A_406 = arith.constant 48 : i32
      %add3A_407 = arith.addi %mul3A_405, %add3A_406 : i32
      %swap3A_408 = arith.index_cast %add3A_407 : i32 to index
      %swap3A_409 = tpu.vector_load %arg5[%swap3A_408] {strides = array<i32>} : memref<32768xi32, #tpu.memory_space<vmem>>, vector<16xi32>,
      %swap3A_410 = vector.shape_cast %swap3A_409 : vector<16xi32> to vector<16xi32>
      %swap3A_411 = vector.shape_cast %gather3A_375 : vector<16xi32> to vector<16xi32>
      tpu.vector_store %arg5[%swap3A_408], %swap3A_411 {strides = array<i32>} : memref<32768xi32, #tpu.memory_space<vmem>>, vector<16xi32>,
      %broadcast_in_dim3A_412 = arith.constant 10 : i32
      %broadcast_in_dim3A_413 = vector.broadcast %broadcast_in_dim3A_412 : i32 to vector<16x1xi32>
      %gather3A_414 = vector.shape_cast %broadcast_in_dim3A_413 : vector<16x1xi32> to vector<16xi32>
      %gather3A_415 = tpu.dynamic_gather %get3A_14[%gather3A_414] in [0] : vector<16xi32>, vector<16xi32> -> vector<16xi32>
      %mul3A_416 = arith.constant 16 : i32
      %mul3A_417 = arith.muli %scan3A_10, %mul3A_416 : i32
      %add3A_418 = arith.constant 10 : i32
      %add3A_419 = arith.addi %mul3A_417, %add3A_418 : i32
      %mul3A_420 = arith.constant 64 : i32
      %mul3A_421 = arith.muli %add3A_419, %mul3A_420 : i32
      %add3A_422 = arith.constant 0 : i32
      %add3A_423 = arith.addi %mul3A_421, %add3A_422 : i32
      %swap3A_424 = arith.index_cast %add3A_423 : i32 to index
      %swap3A_425 = tpu.vector_load %arg5[%swap3A_424] {strides = array<i32>} : memref<32768xi32, #tpu.memory_space<vmem>>, vector<16xi32>,
      %swap3A_426 = vector.shape_cast %swap3A_425 : vector<16xi32> to vector<16xi32>
      %swap3A_427 = vector.shape_cast %gather3A_415 : vector<16xi32> to vector<16xi32>
      tpu.vector_store %arg5[%swap3A_424], %swap3A_427 {strides = array<i32>} : memref<32768xi32, #tpu.memory_space<vmem>>, vector<16xi32>,
      %mul3A_428 = arith.constant 64 : i32
      %mul3A_429 = arith.muli %add3A_419, %mul3A_428 : i32
      %add3A_430 = arith.constant 16 : i32
      %add3A_431 = arith.addi %mul3A_429, %add3A_430 : i32
      %swap3A_432 = arith.index_cast %add3A_431 : i32 to index
      %swap3A_433 = tpu.vector_load %arg5[%swap3A_432] {strides = array<i32>} : memref<32768xi32, #tpu.memory_space<vmem>>, vector<16xi32>,
      %swap3A_434 = vector.shape_cast %swap3A_433 : vector<16xi32> to vector<16xi32>
      %swap3A_435 = vector.shape_cast %gather3A_415 : vector<16xi32> to vector<16xi32>
      tpu.vector_store %arg5[%swap3A_432], %swap3A_435 {strides = array<i32>} : memref<32768xi32, #tpu.memory_space<vmem>>, vector<16xi32>,
      %mul3A_436 = arith.constant 64 : i32
      %mul3A_437 = arith.muli %add3A_419, %mul3A_436 : i32
      %add3A_438 = arith.constant 32 : i32
      %add3A_439 = arith.addi %mul3A_437, %add3A_438 : i32
      %swap3A_440 = arith.index_cast %add3A_439 : i32 to index
      %swap3A_441 = tpu.vector_load %arg5[%swap3A_440] {strides = array<i32>} : memref<32768xi32, #tpu.memory_space<vmem>>, vector<16xi32>,
      %swap3A_442 = vector.shape_cast %swap3A_441 : vector<16xi32> to vector<16xi32>
      %swap3A_443 = vector.shape_cast %gather3A_415 : vector<16xi32> to vector<16xi32>
      tpu.vector_store %arg5[%swap3A_440], %swap3A_443 {strides = array<i32>} : memref<32768xi32, #tpu.memory_space<vmem>>, vector<16xi32>,
      %mul3A_444 = arith.constant 64 : i32
      %mul3A_445 = arith.muli %add3A_419, %mul3A_444 : i32
      %add3A_446 = arith.constant 48 : i32
      %add3A_447 = arith.addi %mul3A_445, %add3A_446 : i32
      %swap3A_448 = arith.index_cast %add3A_447 : i32 to index
      %swap3A_449 = tpu.vector_load %arg5[%swap3A_448] {strides = array<i32>} : memref<32768xi32, #tpu.memory_space<vmem>>, vector<16xi32>,
      %swap3A_450 = vector.shape_cast %swap3A_449 : vector<16xi32> to vector<16xi32>
      %swap3A_451 = vector.shape_cast %gather3A_415 : vector<16xi32> to vector<16xi32>
      tpu.vector_store %arg5[%swap3A_448], %swap3A_451 {strides = array<i32>} : memref<32768xi32, #tpu.memory_space<vmem>>, vector<16xi32>,
      %broadcast_in_dim3A_452 = arith.constant 11 : i32
      %broadcast_in_dim3A_453 = vector.broadcast %broadcast_in_dim3A_452 : i32 to vector<16x1xi32>
      %gather3A_454 = vector.shape_cast %broadcast_in_dim3A_453 : vector<16x1xi32> to vector<16xi32>
      %gather3A_455 = tpu.dynamic_gather %get3A_14[%gather3A_454] in [0] : vector<16xi32>, vector<16xi32> -> vector<16xi32>
      %mul3A_456 = arith.constant 16 : i32
      %mul3A_457 = arith.muli %scan3A_10, %mul3A_456 : i32
      %add3A_458 = arith.constant 11 : i32
      %add3A_459 = arith.addi %mul3A_457, %add3A_458 : i32
      %mul3A_460 = arith.constant 64 : i32
      %mul3A_461 = arith.muli %add3A_459, %mul3A_460 : i32
      %add3A_462 = arith.constant 0 : i32
      %add3A_463 = arith.addi %mul3A_461, %add3A_462 : i32
      %swap3A_464 = arith.index_cast %add3A_463 : i32 to index
      %swap3A_465 = tpu.vector_load %arg5[%swap3A_464] {strides = array<i32>} : memref<32768xi32, #tpu.memory_space<vmem>>, vector<16xi32>,
      %swap3A_466 = vector.shape_cast %swap3A_465 : vector<16xi32> to vector<16xi32>
      %swap3A_467 = vector.shape_cast %gather3A_455 : vector<16xi32> to vector<16xi32>
      tpu.vector_store %arg5[%swap3A_464], %swap3A_467 {strides = array<i32>} : memref<32768xi32, #tpu.memory_space<vmem>>, vector<16xi32>,
      %mul3A_468 = arith.constant 64 : i32
      %mul3A_469 = arith.muli %add3A_459, %mul3A_468 : i32
      %add3A_470 = arith.constant 16 : i32
      %add3A_471 = arith.addi %mul3A_469, %add3A_470 : i32
      %swap3A_472 = arith.index_cast %add3A_471 : i32 to index
      %swap3A_473 = tpu.vector_load %arg5[%swap3A_472] {strides = array<i32>} : memref<32768xi32, #tpu.memory_space<vmem>>, vector<16xi32>,
      %swap3A_474 = vector.shape_cast %swap3A_473 : vector<16xi32> to vector<16xi32>
      %swap3A_475 = vector.shape_cast %gather3A_455 : vector<16xi32> to vector<16xi32>
      tpu.vector_store %arg5[%swap3A_472], %swap3A_475 {strides = array<i32>} : memref<32768xi32, #tpu.memory_space<vmem>>, vector<16xi32>,
      %mul3A_476 = arith.constant 64 : i32
      %mul3A_477 = arith.muli %add3A_459, %mul3A_476 : i32
      %add3A_478 = arith.constant 32 : i32
      %add3A_479 = arith.addi %mul3A_477, %add3A_478 : i32
      %swap3A_480 = arith.index_cast %add3A_479 : i32 to index
      %swap3A_481 = tpu.vector_load %arg5[%swap3A_480] {strides = array<i32>} : memref<32768xi32, #tpu.memory_space<vmem>>, vector<16xi32>,
      %swap3A_482 = vector.shape_cast %swap3A_481 : vector<16xi32> to vector<16xi32>
      %swap3A_483 = vector.shape_cast %gather3A_455 : vector<16xi32> to vector<16xi32>
      tpu.vector_store %arg5[%swap3A_480], %swap3A_483 {strides = array<i32>} : memref<32768xi32, #tpu.memory_space<vmem>>, vector<16xi32>,
      %mul3A_484 = arith.constant 64 : i32
      %mul3A_485 = arith.muli %add3A_459, %mul3A_484 : i32
      %add3A_486 = arith.constant 48 : i32
      %add3A_487 = arith.addi %mul3A_485, %add3A_486 : i32
      %swap3A_488 = arith.index_cast %add3A_487 : i32 to index
      %swap3A_489 = tpu.vector_load %arg5[%swap3A_488] {strides = array<i32>} : memref<32768xi32, #tpu.memory_space<vmem>>, vector<16xi32>,
      %swap3A_490 = vector.shape_cast %swap3A_489 : vector<16xi32> to vector<16xi32>
      %swap3A_491 = vector.shape_cast %gather3A_455 : vector<16xi32> to vector<16xi32>
      tpu.vector_store %arg5[%swap3A_488], %swap3A_491 {strides = array<i32>} : memref<32768xi32, #tpu.memory_space<vmem>>, vector<16xi32>,
      %broadcast_in_dim3A_492 = arith.constant 12 : i32
      %broadcast_in_dim3A_493 = vector.broadcast %broadcast_in_dim3A_492 : i32 to vector<16x1xi32>
      %gather3A_494 = vector.shape_cast %broadcast_in_dim3A_493 : vector<16x1xi32> to vector<16xi32>
      %gather3A_495 = tpu.dynamic_gather %get3A_14[%gather3A_494] in [0] : vector<16xi32>, vector<16xi32> -> vector<16xi32>
      %mul3A_496 = arith.constant 16 : i32
      %mul3A_497 = arith.muli %scan3A_10, %mul3A_496 : i32
      %add3A_498 = arith.constant 12 : i32
      %add3A_499 = arith.addi %mul3A_497, %add3A_498 : i32
      %mul3A_500 = arith.constant 64 : i32
      %mul3A_501 = arith.muli %add3A_499, %mul3A_500 : i32
      %add3A_502 = arith.constant 0 : i32
      %add3A_503 = arith.addi %mul3A_501, %add3A_502 : i32
      %swap3A_504 = arith.index_cast %add3A_503 : i32 to index
      %swap3A_505 = tpu.vector_load %arg5[%swap3A_504] {strides = array<i32>} : memref<32768xi32, #tpu.memory_space<vmem>>, vector<16xi32>,
      %swap3A_506 = vector.shape_cast %swap3A_505 : vector<16xi32> to vector<16xi32>
      %swap3A_507 = vector.shape_cast %gather3A_495 : vector<16xi32> to vector<16xi32>
      tpu.vector_store %arg5[%swap3A_504], %swap3A_507 {strides = array<i32>} : memref<32768xi32, #tpu.memory_space<vmem>>, vector<16xi32>,
      %mul3A_508 = arith.constant 64 : i32
      %mul3A_509 = arith.muli %add3A_499, %mul3A_508 : i32
      %add3A_510 = arith.constant 16 : i32
      %add3A_511 = arith.addi %mul3A_509, %add3A_510 : i32
      %swap3A_512 = arith.index_cast %add3A_511 : i32 to index
      %swap3A_513 = tpu.vector_load %arg5[%swap3A_512] {strides = array<i32>} : memref<32768xi32, #tpu.memory_space<vmem>>, vector<16xi32>,
      %swap3A_514 = vector.shape_cast %swap3A_513 : vector<16xi32> to vector<16xi32>
      %swap3A_515 = vector.shape_cast %gather3A_495 : vector<16xi32> to vector<16xi32>
      tpu.vector_store %arg5[%swap3A_512], %swap3A_515 {strides = array<i32>} : memref<32768xi32, #tpu.memory_space<vmem>>, vector<16xi32>,
      %mul3A_516 = arith.constant 64 : i32
      %mul3A_517 = arith.muli %add3A_499, %mul3A_516 : i32
      %add3A_518 = arith.constant 32 : i32
      %add3A_519 = arith.addi %mul3A_517, %add3A_518 : i32
      %swap3A_520 = arith.index_cast %add3A_519 : i32 to index
      %swap3A_521 = tpu.vector_load %arg5[%swap3A_520] {strides = array<i32>} : memref<32768xi32, #tpu.memory_space<vmem>>, vector<16xi32>,
      %swap3A_522 = vector.shape_cast %swap3A_521 : vector<16xi32> to vector<16xi32>
      %swap3A_523 = vector.shape_cast %gather3A_495 : vector<16xi32> to vector<16xi32>
      tpu.vector_store %arg5[%swap3A_520], %swap3A_523 {strides = array<i32>} : memref<32768xi32, #tpu.memory_space<vmem>>, vector<16xi32>,
      %mul3A_524 = arith.constant 64 : i32
      %mul3A_525 = arith.muli %add3A_499, %mul3A_524 : i32
      %add3A_526 = arith.constant 48 : i32
      %add3A_527 = arith.addi %mul3A_525, %add3A_526 : i32
      %swap3A_528 = arith.index_cast %add3A_527 : i32 to index
      %swap3A_529 = tpu.vector_load %arg5[%swap3A_528] {strides = array<i32>} : memref<32768xi32, #tpu.memory_space<vmem>>, vector<16xi32>,
      %swap3A_530 = vector.shape_cast %swap3A_529 : vector<16xi32> to vector<16xi32>
      %swap3A_531 = vector.shape_cast %gather3A_495 : vector<16xi32> to vector<16xi32>
      tpu.vector_store %arg5[%swap3A_528], %swap3A_531 {strides = array<i32>} : memref<32768xi32, #tpu.memory_space<vmem>>, vector<16xi32>,
      %broadcast_in_dim3A_532 = arith.constant 13 : i32
      %broadcast_in_dim3A_533 = vector.broadcast %broadcast_in_dim3A_532 : i32 to vector<16x1xi32>
      %gather3A_534 = vector.shape_cast %broadcast_in_dim3A_533 : vector<16x1xi32> to vector<16xi32>
      %gather3A_535 = tpu.dynamic_gather %get3A_14[%gather3A_534] in [0] : vector<16xi32>, vector<16xi32> -> vector<16xi32>
      %mul3A_536 = arith.constant 16 : i32
      %mul3A_537 = arith.muli %scan3A_10, %mul3A_536 : i32
      %add3A_538 = arith.constant 13 : i32
      %add3A_539 = arith.addi %mul3A_537, %add3A_538 : i32
      %mul3A_540 = arith.constant 64 : i32
      %mul3A_541 = arith.muli %add3A_539, %mul3A_540 : i32
      %add3A_542 = arith.constant 0 : i32
      %add3A_543 = arith.addi %mul3A_541, %add3A_542 : i32
      %swap3A_544 = arith.index_cast %add3A_543 : i32 to index
      %swap3A_545 = tpu.vector_load %arg5[%swap3A_544] {strides = array<i32>} : memref<32768xi32, #tpu.memory_space<vmem>>, vector<16xi32>,
      %swap3A_546 = vector.shape_cast %swap3A_545 : vector<16xi32> to vector<16xi32>
      %swap3A_547 = vector.shape_cast %gather3A_535 : vector<16xi32> to vector<16xi32>
      tpu.vector_store %arg5[%swap3A_544], %swap3A_547 {strides = array<i32>} : memref<32768xi32, #tpu.memory_space<vmem>>, vector<16xi32>,
      %mul3A_548 = arith.constant 64 : i32
      %mul3A_549 = arith.muli %add3A_539, %mul3A_548 : i32
      %add3A_550 = arith.constant 16 : i32
      %add3A_551 = arith.addi %mul3A_549, %add3A_550 : i32
      %swap3A_552 = arith.index_cast %add3A_551 : i32 to index
      %swap3A_553 = tpu.vector_load %arg5[%swap3A_552] {strides = array<i32>} : memref<32768xi32, #tpu.memory_space<vmem>>, vector<16xi32>,
      %swap3A_554 = vector.shape_cast %swap3A_553 : vector<16xi32> to vector<16xi32>
      %swap3A_555 = vector.shape_cast %gather3A_535 : vector<16xi32> to vector<16xi32>
      tpu.vector_store %arg5[%swap3A_552], %swap3A_555 {strides = array<i32>} : memref<32768xi32, #tpu.memory_space<vmem>>, vector<16xi32>,
      %mul3A_556 = arith.constant 64 : i32
      %mul3A_557 = arith.muli %add3A_539, %mul3A_556 : i32
      %add3A_558 = arith.constant 32 : i32
      %add3A_559 = arith.addi %mul3A_557, %add3A_558 : i32
      %swap3A_560 = arith.index_cast %add3A_559 : i32 to index
      %swap3A_561 = tpu.vector_load %arg5[%swap3A_560] {strides = array<i32>} : memref<32768xi32, #tpu.memory_space<vmem>>, vector<16xi32>,
      %swap3A_562 = vector.shape_cast %swap3A_561 : vector<16xi32> to vector<16xi32>
      %swap3A_563 = vector.shape_cast %gather3A_535 : vector<16xi32> to vector<16xi32>
      tpu.vector_store %arg5[%swap3A_560], %swap3A_563 {strides = array<i32>} : memref<32768xi32, #tpu.memory_space<vmem>>, vector<16xi32>,
      %mul3A_564 = arith.constant 64 : i32
      %mul3A_565 = arith.muli %add3A_539, %mul3A_564 : i32
      %add3A_566 = arith.constant 48 : i32
      %add3A_567 = arith.addi %mul3A_565, %add3A_566 : i32
      %swap3A_568 = arith.index_cast %add3A_567 : i32 to index
      %swap3A_569 = tpu.vector_load %arg5[%swap3A_568] {strides = array<i32>} : memref<32768xi32, #tpu.memory_space<vmem>>, vector<16xi32>,
      %swap3A_570 = vector.shape_cast %swap3A_569 : vector<16xi32> to vector<16xi32>
      %swap3A_571 = vector.shape_cast %gather3A_535 : vector<16xi32> to vector<16xi32>
      tpu.vector_store %arg5[%swap3A_568], %swap3A_571 {strides = array<i32>} : memref<32768xi32, #tpu.memory_space<vmem>>, vector<16xi32>,
      %broadcast_in_dim3A_572 = arith.constant 14 : i32
      %broadcast_in_dim3A_573 = vector.broadcast %broadcast_in_dim3A_572 : i32 to vector<16x1xi32>
      %gather3A_574 = vector.shape_cast %broadcast_in_dim3A_573 : vector<16x1xi32> to vector<16xi32>
      %gather3A_575 = tpu.dynamic_gather %get3A_14[%gather3A_574] in [0] : vector<16xi32>, vector<16xi32> -> vector<16xi32>
      %mul3A_576 = arith.constant 16 : i32
      %mul3A_577 = arith.muli %scan3A_10, %mul3A_576 : i32
      %add3A_578 = arith.constant 14 : i32
      %add3A_579 = arith.addi %mul3A_577, %add3A_578 : i32
      %mul3A_580 = arith.constant 64 : i32
      %mul3A_581 = arith.muli %add3A_579, %mul3A_580 : i32
      %add3A_582 = arith.constant 0 : i32
      %add3A_583 = arith.addi %mul3A_581, %add3A_582 : i32
      %swap3A_584 = arith.index_cast %add3A_583 : i32 to index
      %swap3A_585 = tpu.vector_load %arg5[%swap3A_584] {strides = array<i32>} : memref<32768xi32, #tpu.memory_space<vmem>>, vector<16xi32>,
      %swap3A_586 = vector.shape_cast %swap3A_585 : vector<16xi32> to vector<16xi32>
      %swap3A_587 = vector.shape_cast %gather3A_575 : vector<16xi32> to vector<16xi32>
      tpu.vector_store %arg5[%swap3A_584], %swap3A_587 {strides = array<i32>} : memref<32768xi32, #tpu.memory_space<vmem>>, vector<16xi32>,
      %mul3A_588 = arith.constant 64 : i32
      %mul3A_589 = arith.muli %add3A_579, %mul3A_588 : i32
      %add3A_590 = arith.constant 16 : i32
      %add3A_591 = arith.addi %mul3A_589, %add3A_590 : i32
      %swap3A_592 = arith.index_cast %add3A_591 : i32 to index
      %swap3A_593 = tpu.vector_load %arg5[%swap3A_592] {strides = array<i32>} : memref<32768xi32, #tpu.memory_space<vmem>>, vector<16xi32>,
      %swap3A_594 = vector.shape_cast %swap3A_593 : vector<16xi32> to vector<16xi32>
      %swap3A_595 = vector.shape_cast %gather3A_575 : vector<16xi32> to vector<16xi32>
      tpu.vector_store %arg5[%swap3A_592], %swap3A_595 {strides = array<i32>} : memref<32768xi32, #tpu.memory_space<vmem>>, vector<16xi32>,
      %mul3A_596 = arith.constant 64 : i32
      %mul3A_597 = arith.muli %add3A_579, %mul3A_596 : i32
      %add3A_598 = arith.constant 32 : i32
      %add3A_599 = arith.addi %mul3A_597, %add3A_598 : i32
      %swap3A_600 = arith.index_cast %add3A_599 : i32 to index
      %swap3A_601 = tpu.vector_load %arg5[%swap3A_600] {strides = array<i32>} : memref<32768xi32, #tpu.memory_space<vmem>>, vector<16xi32>,
      %swap3A_602 = vector.shape_cast %swap3A_601 : vector<16xi32> to vector<16xi32>
      %swap3A_603 = vector.shape_cast %gather3A_575 : vector<16xi32> to vector<16xi32>
      tpu.vector_store %arg5[%swap3A_600], %swap3A_603 {strides = array<i32>} : memref<32768xi32, #tpu.memory_space<vmem>>, vector<16xi32>,
      %mul3A_604 = arith.constant 64 : i32
      %mul3A_605 = arith.muli %add3A_579, %mul3A_604 : i32
      %add3A_606 = arith.constant 48 : i32
      %add3A_607 = arith.addi %mul3A_605, %add3A_606 : i32
      %swap3A_608 = arith.index_cast %add3A_607 : i32 to index
      %swap3A_609 = tpu.vector_load %arg5[%swap3A_608] {strides = array<i32>} : memref<32768xi32, #tpu.memory_space<vmem>>, vector<16xi32>,
      %swap3A_610 = vector.shape_cast %swap3A_609 : vector<16xi32> to vector<16xi32>
      %swap3A_611 = vector.shape_cast %gather3A_575 : vector<16xi32> to vector<16xi32>
      tpu.vector_store %arg5[%swap3A_608], %swap3A_611 {strides = array<i32>} : memref<32768xi32, #tpu.memory_space<vmem>>, vector<16xi32>,
      %broadcast_in_dim3A_612 = arith.constant 15 : i32
      %broadcast_in_dim3A_613 = vector.broadcast %broadcast_in_dim3A_612 : i32 to vector<16x1xi32>
      %gather3A_614 = vector.shape_cast %broadcast_in_dim3A_613 : vector<16x1xi32> to vector<16xi32>
      %gather3A_615 = tpu.dynamic_gather %get3A_14[%gather3A_614] in [0] : vector<16xi32>, vector<16xi32> -> vector<16xi32>
      %mul3A_616 = arith.constant 16 : i32
      %mul3A_617 = arith.muli %scan3A_10, %mul3A_616 : i32
      %add3A_618 = arith.constant 15 : i32
      %add3A_619 = arith.addi %mul3A_617, %add3A_618 : i32
      %mul3A_620 = arith.constant 64 : i32
      %mul3A_621 = arith.muli %add3A_619, %mul3A_620 : i32
      %add3A_622 = arith.constant 0 : i32
      %add3A_623 = arith.addi %mul3A_621, %add3A_622 : i32
      %swap3A_624 = arith.index_cast %add3A_623 : i32 to index
      %swap3A_625 = tpu.vector_load %arg5[%swap3A_624] {strides = array<i32>} : memref<32768xi32, #tpu.memory_space<vmem>>, vector<16xi32>,
      %swap3A_626 = vector.shape_cast %swap3A_625 : vector<16xi32> to vector<16xi32>
      %swap3A_627 = vector.shape_cast %gather3A_615 : vector<16xi32> to vector<16xi32>
      tpu.vector_store %arg5[%swap3A_624], %swap3A_627 {strides = array<i32>} : memref<32768xi32, #tpu.memory_space<vmem>>, vector<16xi32>,
      %mul3A_628 = arith.constant 64 : i32
      %mul3A_629 = arith.muli %add3A_619, %mul3A_628 : i32
      %add3A_630 = arith.constant 16 : i32
      %add3A_631 = arith.addi %mul3A_629, %add3A_630 : i32
      %swap3A_632 = arith.index_cast %add3A_631 : i32 to index
      %swap3A_633 = tpu.vector_load %arg5[%swap3A_632] {strides = array<i32>} : memref<32768xi32, #tpu.memory_space<vmem>>, vector<16xi32>,
      %swap3A_634 = vector.shape_cast %swap3A_633 : vector<16xi32> to vector<16xi32>
      %swap3A_635 = vector.shape_cast %gather3A_615 : vector<16xi32> to vector<16xi32>
      tpu.vector_store %arg5[%swap3A_632], %swap3A_635 {strides = array<i32>} : memref<32768xi32, #tpu.memory_space<vmem>>, vector<16xi32>,
      %mul3A_636 = arith.constant 64 : i32
      %mul3A_637 = arith.muli %add3A_619, %mul3A_636 : i32
      %add3A_638 = arith.constant 32 : i32
      %add3A_639 = arith.addi %mul3A_637, %add3A_638 : i32
      %swap3A_640 = arith.index_cast %add3A_639 : i32 to index
      %swap3A_641 = tpu.vector_load %arg5[%swap3A_640] {strides = array<i32>} : memref<32768xi32, #tpu.memory_space<vmem>>, vector<16xi32>,
      %swap3A_642 = vector.shape_cast %swap3A_641 : vector<16xi32> to vector<16xi32>
      %swap3A_643 = vector.shape_cast %gather3A_615 : vector<16xi32> to vector<16xi32>
      tpu.vector_store %arg5[%swap3A_640], %swap3A_643 {strides = array<i32>} : memref<32768xi32, #tpu.memory_space<vmem>>, vector<16xi32>,
      %mul3A_644 = arith.constant 64 : i32
      %mul3A_645 = arith.muli %add3A_619, %mul3A_644 : i32
      %add3A_646 = arith.constant 48 : i32
      %add3A_647 = arith.addi %mul3A_645, %add3A_646 : i32
      %swap3A_648 = arith.index_cast %add3A_647 : i32 to index
      %swap3A_649 = tpu.vector_load %arg5[%swap3A_648] {strides = array<i32>} : memref<32768xi32, #tpu.memory_space<vmem>>, vector<16xi32>,
      %swap3A_650 = vector.shape_cast %swap3A_649 : vector<16xi32> to vector<16xi32>
      %swap3A_651 = vector.shape_cast %gather3A_615 : vector<16xi32> to vector<16xi32>
      tpu.vector_store %arg5[%swap3A_648], %swap3A_651 {strides = array<i32>} : memref<32768xi32, #tpu.memory_space<vmem>>, vector<16xi32>,
    }
    %scan3A_7 = arith.constant 32 : i32
    %mul3A_8 = arith.constant 64 : i32
    %mul3A_9 = arith.muli %mul3A_2, %mul3A_8 : i32
    "tpu.region"() ({
      %run_scoped3A = tpu.sem_alloc : memref<!tpu.dma_semaphore, #tpu.memory_space<semaphore_mem>>
      %dma_start3A = tpu.memref_slice %arg3[%mul3A_9] : memref<1048576xi32, #tpu.memory_space<hbm>> -> memref<32768xi32, #tpu.memory_space<hbm>>
      %dma_start3A_10 = tpu.memref_slice %arg3[%mul3A_9] : memref<1048576xi32, #tpu.memory_space<hbm>> -> memref<32768xi32, #tpu.memory_space<hbm>>
      tpu.enqueue_dma source(%arg5 : memref<32768xi32, #tpu.memory_space<vmem>>) target(%dma_start3A_10 : memref<32768xi32, #tpu.memory_space<hbm>>) target_semaphore(%run_scoped3A : memref<!tpu.dma_semaphore, #tpu.memory_space<semaphore_mem>>)
      %dma_wait3A = tpu.memref_slice %arg3[%mul3A_9] : memref<1048576xi32, #tpu.memory_space<hbm>> -> memref<32768xi32, #tpu.memory_space<hbm>>
      %dma_wait3A_11 = tpu.memref_slice %arg3[%mul3A_9] : memref<1048576xi32, #tpu.memory_space<hbm>> -> memref<32768xi32, #tpu.memory_space<hbm>>
      tpu.wait_dma2 semaphore(%run_scoped3A : memref<!tpu.dma_semaphore, #tpu.memory_space<semaphore_mem>>) src(%arg5 : memref<32768xi32, #tpu.memory_space<vmem>>) dst(%dma_wait3A_11 : memref<32768xi32, #tpu.memory_space<hbm>>)
      tpu.yield
    }) : () -> ()
    return
  }
}

module attributes {stable_mosaic.version = 14 : i64} {
  func.func @_edge_kernel(%arg0: i32, %arg1: memref<2x4096xf32, #tpu.memory_space<vmem>>, %arg2: memref<512x4096xf32, #tpu.memory_space<vmem>>, %arg3: memref<1x512xf32, #tpu.memory_space<vmem>>, %arg4: memref<1x1xf32, #tpu.memory_space<vmem>>, %arg5: memref<2x512xf32, #tpu.memory_space<vmem>>) attributes {dimension_semantics = [#tpu.dimension_semantics<arbitrary>], iteration_bounds = array<i64: 8>, scalar_prefetch = 0 : i64, scratch_operands = 0 : i64, tpu.core_type = #tpu.core_type<tc>, window_params = [{pipeline_mode = #tpu.pipeline_mode<synchronous>, transform_indices = @transform_0, window_bounds = array<i64: 2, 4096>}, {transform_indices = @transform_1, window_bounds = array<i64: 512, 4096>}, {transform_indices = @transform_2, window_bounds = array<i64: 1, 512>}, {pipeline_mode = #tpu.pipeline_mode<synchronous>, transform_indices = @transform_3, window_bounds = array<i64: 1, 1>}, {transform_indices = @transform_4, window_bounds = array<i64: 2, 512>}]} {
    %get3A = arith.constant 0 : index
    %get3A_0 = arith.constant 0 : index
    %get3A_1 = vector.load %arg1[%get3A, %get3A_0] : memref<2x4096xf32, #tpu.memory_space<vmem>>, vector<2x4096xf32>
    %get3A_2 = arith.constant 0 : index
    %get3A_3 = arith.constant 0 : index
    %get3A_4 = vector.load %arg2[%get3A_2, %get3A_3] : memref<512x4096xf32, #tpu.memory_space<vmem>>, vector<512x4096xf32>
    %convert_element_type3A = arith.truncf %get3A_1 : vector<2x4096xf32> to vector<2x4096xbf16>
    %convert_element_type3A_5 = arith.truncf %get3A_4 : vector<512x4096xf32> to vector<512x4096xbf16>
    %dot_general3A = arith.constant dense<0.000000e+00> : vector<2x512xf32>
    %dot_general3A_6 = tpu.matmul %convert_element_type3A, %convert_element_type3A_5, %dot_general3A {dimension_numbers = #tpu.dot_dimension_numbers<[1], [1], [0], [0], [0, 0, 1, 0], [], []>, transpose_lhs_hint = false} : vector<2x4096xbf16>, vector<512x4096xbf16>, vector<2x512xf32> -> vector<2x512xf32>
    %get3A_7 = arith.constant 0 : index
    %get3A_8 = arith.constant 0 : index
    %get3A_9 = vector.load %arg4[%get3A_7, %get3A_8] : memref<1x1xf32, #tpu.memory_space<vmem>>, vector<1x1xf32>
    %get3A_10 = vector.extract %get3A_9[0, 0] : f32 from vector<1x1xf32>
    %get3A_11 = arith.constant 0 : index
    %get3A_12 = arith.constant 0 : index
    %get3A_13 = vector.load %arg3[%get3A_11, %get3A_12] : memref<1x512xf32, #tpu.memory_space<vmem>>, vector<1x512xf32>
    %get3A_14 = vector.shape_cast %get3A_13 : vector<1x512xf32> to vector<512xf32>
    %broadcast_in_dim3A = vector.shape_cast %get3A_14 : vector<512xf32> to vector<1x512xf32>
    %add3A = vector.broadcast %broadcast_in_dim3A : vector<1x512xf32> to vector<2x512xf32>
    %add3A_15 = arith.addf %dot_general3A_6, %add3A : vector<2x512xf32>
    %logistic3A = arith.negf %add3A_15 : vector<2x512xf32>
    %logistic3A_16 = math.exp %logistic3A : vector<2x512xf32>
    %logistic3A_17 = arith.constant 1.000000e+00 : f32
    %logistic3A_18 = vector.broadcast %logistic3A_17 : f32 to vector<2x512xf32>
    %logistic3A_19 = arith.addf %logistic3A_18, %logistic3A_16 : vector<2x512xf32>
    %logistic3A_20 = arith.divf %logistic3A_18, %logistic3A_19 : vector<2x512xf32>
    %mul3A = arith.constant 512 : i32
    %mul3A_21 = arith.muli %arg0, %mul3A : i32
    %get3A_22 = arith.constant 0 : index
    %get3A_23 = arith.index_cast %mul3A_21 : i32 to index
    %get3A_24 = vector.load %arg1[%get3A_22, %get3A_23] : memref<2x4096xf32, #tpu.memory_space<vmem>>, vector<2x512xf32>
    %mul3A_25 = vector.broadcast %get3A_10 : f32 to vector<2x512xf32>
    %mul3A_26 = arith.mulf %mul3A_25, %get3A_24 : vector<2x512xf32>
    %sub3A = arith.constant 1.000000e+00 : f32
    %sub3A_27 = arith.subf %sub3A, %get3A_10 : f32
    %mul3A_28 = vector.broadcast %sub3A_27 : f32 to vector<2x512xf32>
    %mul3A_29 = arith.mulf %mul3A_28, %logistic3A_20 : vector<2x512xf32>
    %add3A_30 = arith.addf %mul3A_26, %mul3A_29 : vector<2x512xf32>
    %swap3A = arith.constant 0 : index
    %swap3A_31 = arith.constant 0 : index
    %swap3A_32 = vector.load %arg5[%swap3A, %swap3A_31] : memref<2x512xf32, #tpu.memory_space<vmem>>, vector<2x512xf32>
    tpu.vector_store %arg5[%swap3A, %swap3A_31], %add3A_30 {strides = array<i32>} : memref<2x512xf32, #tpu.memory_space<vmem>>, vector<2x512xf32>,
    return
  }
  func.func @transform_0(%arg0: i32) -> (i32, i32) {
    %c0_i32 = arith.constant 0 : i32
    %c0_i32_0 = arith.constant 0 : i32
    %c0_i32_1 = arith.constant 0 : i32
    return %c0_i32, %c0_i32_0 : i32, i32
  }
  func.func @transform_1(%arg0: i32) -> (i32, i32) {
    %c0_i32 = arith.constant 0 : i32
    %c0_i32_0 = arith.constant 0 : i32
    return %arg0, %c0_i32 : i32, i32
  }
  func.func @transform_2(%arg0: i32) -> (i32, i32) {
    %c0_i32 = arith.constant 0 : i32
    %c0_i32_0 = arith.constant 0 : i32
    return %c0_i32, %arg0 : i32, i32
  }
  func.func @transform_3(%arg0: i32) -> (i32, i32) {
    %c0_i32 = arith.constant 0 : i32
    %c0_i32_0 = arith.constant 0 : i32
    %c0_i32_1 = arith.constant 0 : i32
    return %c0_i32, %c0_i32_0 : i32, i32
  }
  func.func @transform_4(%arg0: i32) -> (i32, i32) {
    %c0_i32 = arith.constant 0 : i32
    %c0_i32_0 = arith.constant 0 : i32
    return %c0_i32, %arg0 : i32, i32
  }
}

</mosaic_0001>

<sc_bundles>
// kernel: kernel.4.cloned.1.call-start
scs
__scs_entry_jumppad:
0x0: {  	(pc) =	sbr.rel $0x88, $3  }
0x1: {  	(tag) =	ssettag $0x0;
	lr =	simm.s32 $0x1  }
0x2: {  	[smem:$0x3F9C] =	sst lr;
	_ =	strace $0xD0000000  }
0x3: {  	_ = 	snop  }
0x4: {  	_ = 	snop  }
0x5: {  	_ = 	snop  }
0x6: {  	_ = 	snop  }
0x7: {  	_ = 	snop  }
__scs_overlays_trampoline_lowered:
0x8: {  	[smem:$0x3FAB] =	sst s0  }
0x9: {  	[smem:$0x3FAC] =	sst s1  }
0xa: {  	[smem:$0x3FAD] =	sst s2  }
0xb: {  	[smem:$0x3FAE] =	sst s3  }
0xc: {  	[smem:$0x3FAF] =	sst s4  }
0xd: {  	[smem:$0x3FB0] =	sst s5  }
0xe: {  	[smem:$0x3FB1] =	sst s6  }
0xf: {  	[smem:$0x3FB2] =	sst s7  }
0x10: {  	[smem:$0x3FB3] =	sst s8  }
0x11: {  	[smem:$0x3FB4] =	sst s9;
	s0 =	simm.s32 @!p0 $0x0  }
0x12: {  	s1 =	sld [smem:$0x3F9A];
	s0 =	simm.s32 @p0 $0x1  }
0x13: {  	[smem:$0x3FB5] =	sst s0;
	s0 =	simm.s32 @!p1 $0x0  }
0x14: {  	s2 =	sld [smem:$0x3F99];
	s0 =	simm.s32 @p1 $0x1  }
0x15: {  	[smem:$0x3FB6] =	sst s0;
	s0 =	simm.s32 @!p2 $0x0  }
0x16: {  	s3 =	sld [smem:$0x3FDB];
	s0 =	simm.s32 @p2 $0x1  }
0x17: {  	s4 =	simm.s32 $0x1BF5;
	[smem:$0x3FB8] =	sst s0  }
0x18: {  	s0 =	sld [smem:$0x3F9B];
	_ =	swait.ge [sflag:s4], $0x0  }
0x19: {  	s7 =	sld [smem:$0x3F9C]  }
0x1a: {  	s8 =	sadd.s32 $0xFFFFE003, lr  }
0x1b: {  	s9 =	sadd.s32 $0xFFFFFEF7, lr;
	s5 =	simm.s32 $0xFFFFFFFF;
	p2 =	slt.u32 s8, $0xFFFFF086  }
0x1c: {  	p1 =	slt.u32 s9, $0xF7A;
	s5 =	simm.s32 @!p2 $0x0  }
0x1d: {  	s5 =	simm.s32 @p1 $0x1;
	p0 =	seq.s32 s7, s2  }
0x1e: {  	s7 =	smul.u32 @!p0 $0xF7A, s2;
	p2 =	seq.s32 @!p0 s5, $0x0  }
0x1f: {  	s9 =	smul.u32 $0xF7A, s1;
	s8 =	simm.s32 @!p0 $0x1BF5;
	p2 =	por !p2, p0  }
0x20: {  	[sflag:s8] =	ssyncset.s32 @!p0 $0xFFFFF086;
	s6 =	sadd.s32 @!p0 s3, s7;
	s7 =	simm.s32 @!p0 $0x108  }
0x21: {  	s3 =	sadd.s32 s3, s9;
	s6 =	sadd.s32 @!p0 $0x88, s6;
	s7 =	simm.s32 @p2 $0x1082  }
0x22: {  	[simem:s7], [sflag:s8] =	dma.local @!p0 [hbm:s6], $0xF7A  }
0x23: {  	s9 =	sor.u32 $0xD0000000, s2;
	s6 =	simm.s32 $0x108;
	_ =	swait.ge @!p0 [sflag:s8], $0x0  }
0x24: {  	s3 =	sadd.s32 $0x88, s3;
	s6 =	simm.s32 @!p1 $0x1082;
	[sflag:s4] =	ssyncset.s32 $0xFFFFF086  }
0x25: {  	[simem:s6], [sflag:s4] =	dma.local [hbm:s3], $0xF7A  }
0x26: {  	[smem:$0x3F9C] =	sst s1;
	(tag) =	ssettag s2;
	_ =	strace s9  }
0x27: {  	s1 =	sld [smem:$0x3FAC]  }
0x28: {  	s2 =	sld [smem:$0x3FAD]  }
0x29: {  	s4 =	sld [smem:$0x3FAF]  }
0x2a: {  	p0 =	seq.s32 s5, $0x0;
	s5 =	sld [smem:$0x3FB0]  }
0x2b: {  	s6 =	sld [smem:$0x3FB1]  }
0x2c: {  	s7 =	sld [smem:$0x3FB2]  }
0x2d: {  	s3 =	simm.s32 $0x108;
	s8 =	sld [smem:$0x3FB3]  }
0x2e: {  	s3 =	simm.s32 @!p0 $0x1082;
	s9 =	sld [smem:$0x3FB4]  }
0x2f: {  	lr =	sadd.s32 s0, s3;
	s0 =	sld [smem:$0x3FAB]  }
0x30: {  	s3 =	sld [smem:$0x3FAE]  }
0x31: {  	[smem:$0x3FB7] =	sst s10  }
0x32: {  	s10 =	sld [smem:$0x3FB5];
	_ =	sdelay $0x3  }
0x33: {  	p0 =	seq.s32 s10, $0x1;
	s10 =	sld [smem:$0x3FB7];
	_ =	sdelay $0x3  }
0x34: {  	[smem:$0x3FB7] =	sst s10  }
0x35: {  	s10 =	sld [smem:$0x3FB6];
	_ =	sdelay $0x3  }
0x36: {  	p1 =	seq.s32 s10, $0x1;
	s10 =	sld [smem:$0x3FB7];
	_ =	sdelay $0x3  }
0x37: {  	[smem:$0x3FB7] =	sst s10  }
0x38: {  	s10 =	sld [smem:$0x3FB8]  }
0x39: {  	_ = 	snop;
	(pc) =	sbr.ind lr, $3  }
0x3a: {  	_ = 	snop  }
0x3b: {  	_ = 	snop  }
0x3c: {  	p2 =	seq.s32 s10, $0x1;
	s10 =	sld [smem:$0x3FB7]  }
0x3d: {  	_ =	shalt  }
0x3e: {  	_ =	shalt  }
0x3f: {  	_ =	shalt  }
0x40: {  	_ =	shalt  }
0x41: {  	_ =	shalt  }
0x42: {  	_ =	shalt  }
0x43: {  	_ =	shalt  }
0x44: {  	_ =	shalt  }
0x45: {  	_ =	shalt  }
0x46: {  	_ =	shalt  }
0x47: {  	_ =	shalt  }
0x48: {  	_ =	shalt  }
0x49: {  	_ =	shalt  }
0x4a: {  	_ =	shalt  }
0x4b: {  	_ =	shalt  }
0x4c: {  	_ =	shalt  }
0x4d: {  	_ =	shalt  }
0x4e: {  	_ =	shalt  }
0x4f: {  	_ =	shalt  }
0x50: {  	_ =	shalt  }
0x51: {  	_ =	shalt  }
0x52: {  	_ =	shalt  }
0x53: {  	_ =	shalt  }
0x54: {  	_ =	shalt  }
0x55: {  	_ =	shalt  }
0x56: {  	_ =	shalt  }
0x57: {  	_ =	shalt  }
0x58: {  	_ =	shalt  }
0x59: {  	_ =	shalt  }
0x5a: {  	_ =	shalt  }
0x5b: {  	_ =	shalt  }
0x5c: {  	_ =	shalt  }
0x5d: {  	_ =	shalt  }
0x5e: {  	_ =	shalt  }
0x5f: {  	_ =	shalt  }
0x60: {  	_ =	shalt  }
0x61: {  	_ =	shalt  }
0x62: {  	_ =	shalt  }
0x63: {  	_ =	shalt  }
0x64: {  	_ =	shalt  }
0x65: {  	_ =	shalt  }
0x66: {  	_ =	shalt  }
0x67: {  	_ =	shalt  }
0x68: {  	_ =	shalt  }
0x69: {  	_ =	shalt  }
0x6a: {  	_ =	shalt  }
0x6b: {  	_ =	shalt  }
0x6c: {  	_ =	shalt  }
0x6d: {  	_ =	shalt  }
0x6e: {  	_ =	shalt  }
0x6f: {  	_ =	shalt  }
0x70: {  	_ =	shalt  }
0x71: {  	_ =	shalt  }
0x72: {  	_ =	shalt  }
0x73: {  	_ =	shalt  }
0x74: {  	_ =	shalt  }
0x75: {  	_ =	shalt  }
0x76: {  	_ =	shalt  }
0x77: {  	_ =	shalt  }
0x78: {  	_ =	shalt  }
0x79: {  	_ =	shalt  }
0x7a: {  	_ =	shalt  }
0x7b: {  	_ =	shalt  }
0x7c: {  	_ =	shalt  }
0x7d: {  	_ =	shalt  }
0x7e: {  	_ =	shalt  }
0x7f: {  	_ =	shalt  }
0x80: {  	_ =	shalt  }
0x81: {  	_ =	shalt  }
0x82: {  	_ =	shalt  }
0x83: {  	_ =	shalt  }
0x84: {  	_ =	shalt  }
0x85: {  	_ =	shalt  }
0x86: {  	_ =	shalt  }
0x87: {  	_ =	shalt  }
.Lfunc_end0:
.L_simem_size_0:
called_computation_lowered:
.L_overlay_start_0:
0x88: {  	s2 =	sld [smem:$0x3FD9]  }
0x89: {  	s3 =	sld [smem:$0x3FFE];
	_ =	sdelay $0x1  }
0x8a: {  	s1 =	srdreg.scid  }
0x8b: {  	s0 =	sand.u32 $0x1, s1  }
0x8c: {  	s15 =	sshll.u32 s0, $0xA;
	s2 =	sadd.s32 s3, s2  }
0x8d: {  	s2 =	sadd.s32 s2, s15  }
0x8e: {  	[smem:$0x3FC3] =	sst s2  }
0x8f: {  	_ = 	snop  }
0x90: {  	s2 =	sld [smem:$0x3FD0];
	_ =	sdelay $0x2  }
0x91: {  	s16 =	simm.s32 $0xA;
	s4 =	simm.s32 $0x10  }
0x92: {  	[smem:s4], [sflag:s16] =	dma.local [hbm:s2], $0x1  }
0x93: {  	_ =	swait.eq [sflag:s16], $0x1  }
0x94: {  	[sflag:s16] =	ssyncset.done $0x0  }
0x95: {  	s17 =	sld [smem:$0x10];
	[sflag:s16] =	ssyncadd.s32 $0xFFFFFFFF  }
0x96: {  	s18 =	sld [smem:$0x11];
	(tm) =	ssettm $0x1  }
0x97: {  	s19 =	sld [smem:$0x3FFB];
	_ =	sdelay $0x3  }
0x98: {  	_ =	strace s19  }
0x99: {  	s4 =	sld [smem:$0x3FFC];
	_ =	sdelay $0x3  }
0x9a: {  	_ =	strace s4  }
0x9b: {  	s4 =	sld [smem:$0x3FFD];
	_ =	sdelay $0x3  }
0x9c: {  	_ =	strace s4  }
0x9d: {  	_ =	strace $0x8FFFFFFF  }
0x9e: {  	s20 =	sld [smem:$0x3FDB];
	_ =	sdelay $0x1  }
0x9f: {  	s5 =	simm.s32 $_scs_section_size  }
0xa0: {  	s6 =	simm.s32 $_size__tile_overlayer_lowered;
	s7 =	simm.s32 $_tile_overlayer_lowered  }
0xa1: {  	s23 =	simm.s32 $0x1BFF;
	s22 =	sshll.u32 s7, $0x1;
	s4 =	sadd.s32 s5, s20  }
0xa2: {  	s8 =	simm.s32 $0x0;
	s21 =	sshll.u32 s6, $0x1;
	s6 =	sadd.s32 s22, s4  }
0xa3: {  	[timem:s8], [sflag:s23] =	dma.local [hbm:s6], s21  }
0xa4: {  	_ =	swait.ge [sflag:s23], s21  }
0xa5: {  	s5 =	ssub.s32 $0x0, s21;
	[sflag:s23] =	ssyncset.done $0x0  }
0xa6: {  	[sflag:s23] =	ssyncadd.s32 s5;
	_ =	sdelay $0x1  }
0xa7: {  	s24 =	simm.s32 $0x1B8B  }
0xa8: {  	_ =	swait.ge [sflag:s24], $0x1  }
0xa9: {  	[sflag:s24] =	ssyncset.done $0x0  }
0xaa: {  	s25 =	simm.s32 $0x1B8E;
	[sflag:s24] =	ssyncadd.s32 $0xFFFFFFFF  }
0xab: {  	s26 =	simm.s32 $execute0_lowered;
	[smem:$0x3FD2] =	sst s25  }
0xac: {  	s5 =	sshll.u32 s26, $0x1;
	_ =	strace $0x80000046;
	[dreg:$0x1] =	wrdreg $0xFFFFFFFF  }
0xad: {  	s28 =	simm.s32 $_size_execute0_lowered;
	s4 =	sadd.s32 s4, s5;
	[dreg:$0x0] =	wrdreg $0x0  }
0xae: {  	s5 =	sshll.u32 s28, $0x1;
	[dreg:$0x2] =	wrdreg s4  }
0xaf: {  	[dreg:$0x3] =	wrdreg s5  }
0xb0: {  	[dreg:$0x4] =	wrdreg $0xC0  }
0xb1: {  	_ =	task [dreg:s8], $0x5FFFF  }
0xb2: {  	[dreg:$0x1] =	wrdreg $0xFFFFFFFF  }
0xb3: {  	[dreg:$0x0] =	wrdreg $0x60  }
0xb4: {  	[dreg:$0x2] =	wrdreg s18  }
0xb5: {  	[dreg:$0x3] =	wrdreg s17  }
0xb6: {  	[dreg:$0x4] =	wrdreg $0x9  }
0xb7: {  	_ =	task.clear_ibuf [dreg:s8], $0x5FFFF;
	_ =	strace $0x90000046  }
0xb8: {  	s29 =	simm.s32 $0x9;
	_ =	strace $0x80000048  }
0xb9: {  	_ =	swait.ge [sflag:s29], $0x1  }
0xba: {  	[sflag:s29] =	ssyncadd.s32 $0xFFFFFFFF  }
0xbb: {  	_ =	strace $0x90000048  }
0xbc: {  	_ =	sfence  }
0xbd: {  	s30 =	sld [smem:$0x0];
	_ =	sdelay $0x2  }
0xbe: {  	s31 =	sshll.u32 s1, $0xD;
	s1 =	sshrl.u32 s1, $0x2  }
0xbf: {  	s3 =	sand.u32 $0x4000, s31;
	s1 =	sadd.s32 s1, s30  }
0xc0: {  	s0 =	sor.u32 s3, s0;
	s1 =	sshll.u32 s1, $0x11  }
0xc1: {  	s0 =	sor.u32 s1, s0  }
0xc2: {  	s0 =	sadd.s32 $0x8F2B, s0  }
0xc3: {  	[sflag:s0] =	ssyncadd.remote.s32 $0x1  }
0xc4: {  	_ =	sfence.sel $0xFFFF  }
0xc5: {  	[dreg:$0x0] =	wrdreg $0xFFFFFFFF;
	(pc) =	sbr.abs _section_cstart, $3  }
0xc6: {  	[dreg:$0x1] =	wrdreg $0xFFFFFFFF  }
0xc7: {  	_ =	task.clear_ibuf [dreg:s8], $0x2FFFF;
	_ =	strace $0x9FFFFFFF  }
0xc8: {  	(tm) =	ssettm $0x7FFFFFFF  }
0xc9: {  	_ =	shalt  }
tec
execute0_lowered:
.L_overlay_start_1:
0x0: {  	(tag) =	ssettag $0x1  }
0x1: {  	s3 =	rddreg [dreg:$0x0]  }
0x2: {  	s4 =	rddreg [dreg:$0x1]  }
0x3: {  	s0 =	rddreg [dreg:$0x2];
	s5 =	srdreg.scid  }
0x4: {  	s2 =	simm.s32 $0x0;
	s1 =	stileid.u32;
	v0 =	vimm.s32 $0x0;
	s5 =	sand.u32 $0x1, s5  }
0x5: {  	v1 =	vimm.s32 $0x1;
	v2 =	vimm.s32 $0x2;
	v3 =	vimm.s32 $0x3;
	[smem:$0x7FF] =	sst s2;
	s7 =	sshll.u32 s1, $0x1;
	s6 =	ssub.s32 $0x2, s5  }
0x6: {  	v4 =	vimm.s32 $0x4;
	v5 =	vimm.s32 $0x5;
	v6 =	vimm.s32 $0x6;
	_ =	strace $0x80000047;
	s5 =	sor.u32 s5, s7;
	s8 =	sshrl.u32 s6, $0x1  }
0x7: {  	v7 =	vimm.s32 $0x7;
	v8 =	vimm.s32 $0x8;
	v9 =	vimm.s32 $0x9;
	s7 =	sshll.u32 s5, $0x6;
	s5 =	sshll.u32 s5, $0xC;
	s6 =	ssub.s32 s6, s8  }
0x8: {  	v10 =	vimm.s32 $0xA;
	v11 =	vimm.s32 $0xB;
	v12 =	vimm.s32 $0xC;
	s3 =	sadd.s32 s3, s7;
	s4 =	sadd.s32 s4, s5;
	s7 =	simm.s32 $0x200  }
0x9: {  	v13 =	vimm.s32 $0xD;
	v14 =	vimm.s32 $0xE;
	v15 =	vimm.s32 $0xF;
	s8 =	simm.s32 $0x0;
	s5 =	smax.u32 s6, $0x1;
	s6 =	simm.s32 $0x1  }
.LBB2_1:
0xa: {  	[tilespmem:s2], [sflag:$0x1] =	stream.linear.gather [hbm4b:s3+s2], $0x200, $0x38;
	[tilespmem:$0x8200] =	vst v63  }
0xb: {  	_ =	swait.ge [sflag:s6], $0x200  }
0xc: {  	[sflag:s6] =	ssyncset.done $0x0  }
0xd: {  	s9 =	simm.s32 $0x0;
	[sflag:s6] =	ssyncadd.s32 $0xFFFFFE00  }
0xe: {  	v16 =	vld [tilespmem:s9+$0x0];
	_ =	sdelay $0x4  }
0xf: {  	v17 =	vperm.xlane v16, v0  }
0x10: {  	s9 =	simm.s32 $0x400  }
0x11: {  	[tilespmem:s9+$0xFFFFFE00] =	vst v17  }
0x12: {  	[tilespmem:s9+$0xFFFFFE10] =	vst v17  }
0x13: {  	v18 =	vperm.xlane v16, v1;
	[tilespmem:s9+$0xFFFFFE20] =	vst v17  }
0x14: {  	[tilespmem:s9+$0xFFFFFE30] =	vst v17  }
0x15: {  	[tilespmem:s9+$0xFFFFFE40] =	vst v18  }
0x16: {  	[tilespmem:s9+$0xFFFFFE50] =	vst v18  }
0x17: {  	v58 =	vperm.xlane v16, v3;
	[tilespmem:s9+$0xFFFFFE60] =	vst v18  }
0x18: {  	[tilespmem:s9+$0xFFFFFE70] =	vst v18  }
0x19: {  	[tilespmem:s9+$0xFFFFFEC0] =	vst v58  }
0x1a: {  	[tilespmem:s9+$0xFFFFFED0] =	vst v58  }
0x1b: {  	v59 =	vperm.xlane v16, v5;
	[tilespmem:s9+$0xFFFFFEE0] =	vst v58  }
0x1c: {  	[tilespmem:s9+$0xFFFFFEF0] =	vst v58  }
0x1d: {  	[tilespmem:s9+$0xFFFFFF40] =	vst v59  }
0x1e: {  	[tilespmem:s9+$0xFFFFFF50] =	vst v59  }
0x1f: {  	v60 =	vperm.xlane v16, v7;
	[tilespmem:s9+$0xFFFFFF60] =	vst v59  }
0x20: {  	[tilespmem:s9+$0xFFFFFF70] =	vst v59  }
0x21: {  	[tilespmem:s9+$0xFFFFFFC0] =	vst v60  }
0x22: {  	[tilespmem:s9+$0xFFFFFFD0] =	vst v60  }
0x23: {  	v61 =	vperm.xlane v16, v9;
	[tilespmem:s9+$0xFFFFFFE0] =	vst v60  }
0x24: {  	[tilespmem:s9+$0xFFFFFFF0] =	vst v60  }
0x25: {  	[tilespmem:s9+$0x40] =	vst v61  }
0x26: {  	[tilespmem:s9+$0x50] =	vst v61  }
0x27: {  	v62 =	vperm.xlane v16, v11;
	[tilespmem:s9+$0x60] =	vst v61  }
0x28: {  	[tilespmem:s9+$0x70] =	vst v61  }
0x29: {  	v17 =	vperm.xlane v16, v2;
	[tilespmem:s9+$0xC0] =	vst v62  }
0x2a: {  	[tilespmem:s9+$0xD0] =	vst v62  }
0x2b: {  	[tilespmem:s9+$0xFFFFFE80] =	vst v17  }
0x2c: {  	[tilespmem:s9+$0xFFFFFE90] =	vst v17  }
0x2d: {  	[tilespmem:s9+$0xFFFFFEA0] =	vst v17  }
0x2e: {  	[tilespmem:s9+$0xFFFFFEB0] =	vst v17;
	v17 =	vperm.xlane v16, v4  }
0x2f: {  	[tilespmem:s9+$0xE0] =	vst v62  }
0x30: {  	[tilespmem:s9+$0xFFFFFF00] =	vst v17  }
0x31: {  	[tilespmem:s9+$0xFFFFFF10] =	vst v17  }
0x32: {  	[tilespmem:s9+$0xFFFFFF20] =	vst v17  }
0x33: {  	[tilespmem:s9+$0xFFFFFF30] =	vst v17;
	v17 =	vperm.xlane v16, v6  }
0x34: {  	[tilespmem:s9+$0xF0] =	vst v62  }
0x35: {  	[tilespmem:s9+$0xFFFFFF80] =	vst v17  }
0x36: {  	[tilespmem:s9+$0xFFFFFF90] =	vst v17  }
0x37: {  	v63 =	vperm.xlane v16, v13;
	[tilespmem:s9+$0xFFFFFFA0] =	vst v17  }
0x38: {  	[tilespmem:s9+$0xFFFFFFB0] =	vst v17;
	v17 =	vperm.xlane v16, v8  }
0x39: {  	[tilespmem:s9+$0x140] =	vst v63  }
0x3a: {  	[tilespmem:s9+$0x0] =	vst v17  }
0x3b: {  	[tilespmem:s9+$0x10] =	vst v17  }
0x3c: {  	[tilespmem:s9+$0x20] =	vst v17  }
0x3d: {  	[tilespmem:s9+$0x30] =	vst v17;
	v17 =	vperm.xlane v16, v10  }
0x3e: {  	[tilespmem:s9+$0x150] =	vst v63  }
0x3f: {  	[tilespmem:s9+$0x80] =	vst v17  }
0x40: {  	[tilespmem:s9+$0x90] =	vst v17  }
0x41: {  	[tilespmem:s9+$0xA0] =	vst v17  }
0x42: {  	[tilespmem:s9+$0xB0] =	vst v17;
	v17 =	vperm.xlane v16, v12  }
0x43: {  	[tilespmem:s9+$0x160] =	vst v63  }
0x44: {  	[tilespmem:s9+$0x100] =	vst v17  }
0x45: {  	[tilespmem:s9+$0x110] =	vst v17  }
0x46: {  	[tilespmem:s9+$0x120] =	vst v17  }
0x47: {  	[tilespmem:s9+$0x130] =	vst v17;
	v17 =	vperm.xlane v16, v14  }
0x48: {  	[tilespmem:s9+$0x170] =	vst v63  }
0x49: {  	[tilespmem:s9+$0x180] =	vst v17  }
0x4a: {  	[tilespmem:s9+$0x190] =	vst v17  }
0x4b: {  	v16 =	vperm.xlane v16, v15;
	[tilespmem:s9+$0x1A0] =	vst v17  }
0x4c: {  	[tilespmem:s9+$0x1B0] =	vst v17  }
0x4d: {  	[tilespmem:s9+$0x1C0] =	vst v16  }
0x4e: {  	[tilespmem:s9+$0x1D0] =	vst v16  }
0x4f: {  	[tilespmem:s9+$0x1E0] =	vst v16  }
0x50: {  	s11 =	simm.s32 $0x10;
	s10 =	simm.s32 $0x80;
	[tilespmem:s9+$0x1F0] =	vst v16  }
.LBB2_2:
0x51: {  	p0 =	sne.s32 s10, $0x7C0;
	v16 =	vld [tilespmem:s11+$0x0];
	_ =	sdelay $0x4  }
0x52: {  	v17 =	vperm.xlane v16, v0;
	v18 =	vperm.xlane v16, v1  }
0x53: {  	s9 =	sadd.s32 $0x400, s9;
	v19 =	vperm.xlane v16, v2;
	v20 =	vperm.xlane v16, v3  }
0x54: {  	v21 =	vperm.xlane v16, v4;
	v22 =	vperm.xlane v16, v5;
	[tilespmem:s9+$0xFFFFFE00] =	vst v17  }
0x55: {  	v23 =	vperm.xlane v16, v6;
	v24 =	vperm.xlane v16, v7;
	[tilespmem:s9+$0xFFFFFE10] =	vst v17  }
0x56: {  	v25 =	vperm.xlane v16, v8;
	v26 =	vperm.xlane v16, v9;
	[tilespmem:s9+$0xFFFFFE20] =	vst v17  }
0x57: {  	v27 =	vperm.xlane v16, v11;
	[tilespmem:s9+$0xFFFFFE30] =	vst v17;
	v17 =	vperm.xlane v16, v10  }
0x58: {  	v28 =	vperm.xlane v16, v12;
	v29 =	vperm.xlane v16, v13;
	[tilespmem:s9+$0xFFFFFE40] =	vst v18  }
0x59: {  	v30 =	vperm.xlane v16, v14;
	v16 =	vperm.xlane v16, v15;
	[tilespmem:s9+$0xFFFFFE50] =	vst v18  }
0x5a: {  	[tilespmem:s9+$0xFFFFFE60] =	vst v18  }
0x5b: {  	[tilespmem:s9+$0xFFFFFE70] =	vst v18  }
0x5c: {  	[tilespmem:s9+$0xFFFFFE80] =	vst v19  }
0x5d: {  	[tilespmem:s9+$0xFFFFFE90] =	vst v19  }
0x5e: {  	[tilespmem:s9+$0xFFFFFEA0] =	vst v19  }
0x5f: {  	[tilespmem:s9+$0xFFFFFEB0] =	vst v19  }
0x60: {  	[tilespmem:s9+$0xFFFFFEC0] =	vst v20  }
0x61: {  	[tilespmem:s9+$0xFFFFFED0] =	vst v20  }
0x62: {  	[tilespmem:s9+$0xFFFFFEE0] =	vst v20  }
0x63: {  	[tilespmem:s9+$0xFFFFFEF0] =	vst v20  }
0x64: {  	[tilespmem:s9+$0xFFFFFF00] =	vst v21  }
0x65: {  	[tilespmem:s9+$0xFFFFFF10] =	vst v21  }
0x66: {  	[tilespmem:s9+$0xFFFFFF20] =	vst v21  }
0x67: {  	[tilespmem:s9+$0xFFFFFF30] =	vst v21  }
0x68: {  	[tilespmem:s9+$0xFFFFFF40] =	vst v22  }
0x69: {  	[tilespmem:s9+$0xFFFFFF50] =	vst v22  }
0x6a: {  	[tilespmem:s9+$0xFFFFFF60] =	vst v22  }
0x6b: {  	[tilespmem:s9+$0xFFFFFF70] =	vst v22  }
0x6c: {  	[tilespmem:s9+$0xFFFFFF80] =	vst v23  }
0x6d: {  	[tilespmem:s9+$0xFFFFFF90] =	vst v23  }
0x6e: {  	[tilespmem:s9+$0xFFFFFFA0] =	vst v23  }
0x6f: {  	[tilespmem:s9+$0xFFFFFFB0] =	vst v23  }
0x70: {  	[tilespmem:s9+$0xFFFFFFC0] =	vst v24  }
0x71: {  	[tilespmem:s9+$0xFFFFFFD0] =	vst v24  }
0x72: {  	[tilespmem:s9+$0xFFFFFFE0] =	vst v24  }
0x73: {  	[tilespmem:s9+$0xFFFFFFF0] =	vst v24  }
0x74: {  	[tilespmem:s9+$0x0] =	vst v25  }
0x75: {  	[tilespmem:s9+$0x10] =	vst v25  }
0x76: {  	[tilespmem:s9+$0x20] =	vst v25  }
0x77: {  	[tilespmem:s9+$0x30] =	vst v25  }
0x78: {  	[tilespmem:s9+$0x40] =	vst v26  }
0x79: {  	[tilespmem:s9+$0x50] =	vst v26  }
0x7a: {  	[tilespmem:s9+$0x60] =	vst v26  }
0x7b: {  	[tilespmem:s9+$0x70] =	vst v26  }
0x7c: {  	[tilespmem:s9+$0x80] =	vst v17  }
0x7d: {  	[tilespmem:s9+$0x90] =	vst v17  }
0x7e: {  	[tilespmem:s9+$0xA0] =	vst v17  }
0x7f: {  	[tilespmem:s9+$0xB0] =	vst v17  }
0x80: {  	[tilespmem:s9+$0xC0] =	vst v27  }
0x81: {  	[tilespmem:s9+$0xD0] =	vst v27  }
0x82: {  	[tilespmem:s9+$0xE0] =	vst v27  }
0x83: {  	[tilespmem:s9+$0xF0] =	vst v27  }
0x84: {  	[tilespmem:s9+$0x100] =	vst v28  }
0x85: {  	[tilespmem:s9+$0x110] =	vst v28  }
0x86: {  	[tilespmem:s9+$0x120] =	vst v28  }
0x87: {  	[tilespmem:s9+$0x130] =	vst v28  }
0x88: {  	[tilespmem:s9+$0x140] =	vst v29  }
0x89: {  	[tilespmem:s9+$0x150] =	vst v29  }
0x8a: {  	[tilespmem:s9+$0x160] =	vst v29  }
0x8b: {  	[tilespmem:s9+$0x170] =	vst v29  }
0x8c: {  	[tilespmem:s9+$0x180] =	vst v30  }
0x8d: {  	[tilespmem:s9+$0x190] =	vst v30  }
0x8e: {  	[tilespmem:s9+$0x1A0] =	vst v30  }
.Ltmp0:
0x8f: {  	[tilespmem:s9+$0x1B0] =	vst v30;
	(pc) =	sbr.rel @p0 .LBB2_2-.Ltmp0, $4  }
0x90: {  	[tilespmem:s9+$0x1C0] =	vst v16  }
0x91: {  	[tilespmem:s9+$0x1D0] =	vst v16  }
0x92: {  	[tilespmem:s9+$0x1E0] =	vst v16  }
0x93: {  	s11 =	sshra.s32 s10, $0x2;
	s10 =	sadd.s32 $0x40, s10;
	[tilespmem:s9+$0x1F0] =	vst v16  }
0x94: {  	v16 =	vld [tilespmem:s11+$0x0];
	_ =	sdelay $0x4  }
0x95: {  	v17 =	vperm.xlane v16, v0  }
0x96: {  	s9 =	sadd.s32 $0x400, s9  }
0x97: {  	[tilespmem:s9+$0xFFFFFE00] =	vst v17  }
0x98: {  	[tilespmem:s9+$0xFFFFFE10] =	vst v17  }
0x99: {  	v18 =	vperm.xlane v16, v1;
	[tilespmem:s9+$0xFFFFFE20] =	vst v17  }
0x9a: {  	[tilespmem:s9+$0xFFFFFE30] =	vst v17  }
0x9b: {  	[tilespmem:s9+$0xFFFFFE40] =	vst v18  }
0x9c: {  	[tilespmem:s9+$0xFFFFFE50] =	vst v18  }
0x9d: {  	v58 =	vperm.xlane v16, v3;
	[tilespmem:s9+$0xFFFFFE60] =	vst v18  }
0x9e: {  	[tilespmem:s9+$0xFFFFFE70] =	vst v18  }
0x9f: {  	[tilespmem:s9+$0xFFFFFEC0] =	vst v58  }
0xa0: {  	[tilespmem:s9+$0xFFFFFED0] =	vst v58  }
0xa1: {  	v59 =	vperm.xlane v16, v5;
	[tilespmem:s9+$0xFFFFFEE0] =	vst v58  }
0xa2: {  	[tilespmem:s9+$0xFFFFFEF0] =	vst v58  }
0xa3: {  	[tilespmem:s9+$0xFFFFFF40] =	vst v59  }
0xa4: {  	[tilespmem:s9+$0xFFFFFF50] =	vst v59  }
0xa5: {  	v60 =	vperm.xlane v16, v7;
	[tilespmem:s9+$0xFFFFFF60] =	vst v59  }
0xa6: {  	[tilespmem:s9+$0xFFFFFF70] =	vst v59  }
0xa7: {  	[tilespmem:s9+$0xFFFFFFC0] =	vst v60  }
0xa8: {  	[tilespmem:s9+$0xFFFFFFD0] =	vst v60  }
0xa9: {  	v61 =	vperm.xlane v16, v9;
	[tilespmem:s9+$0xFFFFFFE0] =	vst v60  }
0xaa: {  	[tilespmem:s9+$0xFFFFFFF0] =	vst v60  }
0xab: {  	[tilespmem:s9+$0x40] =	vst v61  }
0xac: {  	[tilespmem:s9+$0x50] =	vst v61  }
0xad: {  	v62 =	vperm.xlane v16, v11;
	[tilespmem:s9+$0x60] =	vst v61  }
0xae: {  	[tilespmem:s9+$0x70] =	vst v61  }
0xaf: {  	v17 =	vperm.xlane v16, v2;
	[tilespmem:s9+$0xC0] =	vst v62  }
0xb0: {  	[tilespmem:s9+$0xD0] =	vst v62  }
0xb1: {  	[tilespmem:s9+$0xFFFFFE80] =	vst v17  }
0xb2: {  	[tilespmem:s9+$0xFFFFFE90] =	vst v17  }
0xb3: {  	[tilespmem:s9+$0xFFFFFEA0] =	vst v17  }
0xb4: {  	[tilespmem:s9+$0xFFFFFEB0] =	vst v17;
	v17 =	vperm.xlane v16, v4  }
0xb5: {  	[tilespmem:s9+$0xE0] =	vst v62  }
0xb6: {  	[tilespmem:s9+$0xFFFFFF00] =	vst v17  }
0xb7: {  	[tilespmem:s9+$0xFFFFFF10] =	vst v17  }
0xb8: {  	[tilespmem:s9+$0xFFFFFF20] =	vst v17  }
0xb9: {  	[tilespmem:s9+$0xFFFFFF30] =	vst v17;
	v17 =	vperm.xlane v16, v6  }
0xba: {  	[tilespmem:s9+$0xF0] =	vst v62  }
0xbb: {  	[tilespmem:s9+$0xFFFFFF80] =	vst v17  }
0xbc: {  	[tilespmem:s9+$0xFFFFFF90] =	vst v17  }
0xbd: {  	v63 =	vperm.xlane v16, v13;
	[tilespmem:s9+$0xFFFFFFA0] =	vst v17  }
0xbe: {  	[tilespmem:s9+$0xFFFFFFB0] =	vst v17;
	v17 =	vperm.xlane v16, v8  }
0xbf: {  	[tilespmem:s9+$0x140] =	vst v63  }
0xc0: {  	[tilespmem:s9+$0x0] =	vst v17  }
0xc1: {  	[tilespmem:s9+$0x10] =	vst v17  }
0xc2: {  	[tilespmem:s9+$0x20] =	vst v17  }
0xc3: {  	[tilespmem:s9+$0x30] =	vst v17;
	v17 =	vperm.xlane v16, v10  }
0xc4: {  	[tilespmem:s9+$0x150] =	vst v63  }
0xc5: {  	[tilespmem:s9+$0x80] =	vst v17  }
0xc6: {  	[tilespmem:s9+$0x90] =	vst v17  }
0xc7: {  	[tilespmem:s9+$0xA0] =	vst v17  }
0xc8: {  	[tilespmem:s9+$0xB0] =	vst v17;
	v17 =	vperm.xlane v16, v12  }
0xc9: {  	[tilespmem:s9+$0x160] =	vst v63  }
0xca: {  	[tilespmem:s9+$0x100] =	vst v17  }
0xcb: {  	[tilespmem:s9+$0x110] =	vst v17  }
0xcc: {  	[tilespmem:s9+$0x120] =	vst v17  }
0xcd: {  	[tilespmem:s9+$0x130] =	vst v17;
	v17 =	vperm.xlane v16, v14  }
0xce: {  	[tilespmem:s9+$0x170] =	vst v63  }
0xcf: {  	[tilespmem:s9+$0x180] =	vst v17  }
0xd0: {  	[tilespmem:s9+$0x190] =	vst v17  }
0xd1: {  	v16 =	vperm.xlane v16, v15;
	[tilespmem:s9+$0x1A0] =	vst v17  }
0xd2: {  	[tilespmem:s9+$0x1B0] =	vst v17  }
0xd3: {  	[tilespmem:s9+$0x1C0] =	vst v16  }
0xd4: {  	s8 =	sadd.s32 $0x1, s8;
	[tilespmem:s9+$0x1D0] =	vst v16  }
0xd5: {  	p0 =	sne.s32 s8, s5;
	[tilespmem:s9+$0x1E0] =	vst v16  }
.Ltmp1:
0xd6: {  	[tilespmem:s9+$0x1F0] =	vst v16;
	(pc) =	sbr.rel @p0 .LBB2_1-.Ltmp1, $4  }
0xd7: {  	[hbm4b:s4+s2] =	stream.linear.scatter [tilespmem:s7], [sflag:$0x1], $0x8000, $0x38;
	[tilespmem:$0x8200] =	vst v63  }
0xd8: {  	_ =	swait.ge [sflag:s6], $0x8000  }
0xd9: {  	[sflag:s6] =	ssyncset.done $0x0  }
0xda: {  	[sflag:s6] =	ssyncadd.s32 $0xFFFF8000  }
0xdb: {  	_ =	sfence.sel $0x180000  }
0xdc: {  	[bflag:$0x0] =	sbarrier.arrive $0xFFFF  }
0xdd: {  	p0 =	sne.s32 s1, $0x0;
	_ =	strace $0x90000047  }
0xde: {  	s0 =	sadd.s32 @!p0 $0x100000, s0;
	[bflag:$0x2] =	sbarrier.arrive $0xFFFF  }
0xdf: {  	[sflag:s0] =	ssyncadd.tile.s32 @!p0 $0x1;
	_ =	shalt  }
.Lfunc_end2:
_tile_overlayer_lowered:
.L_overlay_start_2:
0xe0: {  	(tag) =	ssettag $0x2  }
0xe1: {  	s0 =	rddreg [dreg:$0x0];
	s2 =	stileid.u32  }
0xe2: {  	s1 =	rddreg [dreg:$0x1];
	p0 =	sne.s32 s2, $0x0  }
0xe3: {  	s3 =	rddreg [dreg:$0x2];
	[bflag:$0x3] =	sbarrier.arrive $0xFFFF;
	s2 =	simm.s32 @!p0 $0x1C01  }
0xe4: {  	[timem:s3], [sflag:s2] =	dma.local @!p0 [hbm:s0], s1  }
0xe5: {  	s0 =	simm.s32 @!p0 $0x1  }
0xe6: {  	_ =	swait.ge @!p0 [sflag:s0], s1  }
0xe7: {  	s1 =	ssub.s32 @!p0 $0x0, s1;
	[sflag:s0] =	ssyncset.done @!p0 $0x0  }
0xe8: {  	[sflag:s0] =	ssyncadd.s32 @!p0 s1  }
0xe9: {  	[bflag:$0x3] =	sbarrier.arrive $0xFFFF  }
0xea: {  	_ =	shalt  }

</sc_bundles>
